<compile_context>
chip_gen: v7x
topology: tpu7x:2x2x1
jax: 0.10.2.dev20260603
libtpu: 0.0.44.dev20260713+nightly
codegen_flags: <defaults>
</compile_context>

<pallas_src>
import functools

import jax
import jax.numpy as jnp
from jax import lax
from jax.experimental import pallas as pl
from jax.experimental.pallas import tpu as pltpu
from jax.experimental.pallas import tpu_sc as plsc

VOCAB = 1000000
DIM = 64
BATCH = 16384
HIST = 200

NC = 2
NS = 16
NW = NC * NS

RPW = BATCH // NW
CROWS = 4
NCHUNK = RPW // CROWS
NBUF = 2

_mesh = plsc.VectorSubcoreMesh(core_axis_name="c", subcore_axis_name="s")


@functools.partial(
    pl.kernel,
    out_type=jax.ShapeDtypeStruct((BATCH, HIST, DIM), jnp.float32),
    mesh=_mesh,
    scratch_types=[
        pltpu.VMEM((NBUF, CROWS, HIST), jnp.int32),
        pltpu.VMEM((NBUF, CROWS, HIST, DIM), jnp.float32),
        pltpu.SemaphoreType.DMA((NBUF,)),
        pltpu.SemaphoreType.DMA((NBUF,)),
        pltpu.SemaphoreType.DMA((NBUF,)),
    ],
    compiler_params=pltpu.CompilerParams(use_tc_tiling_on_sc=False),
)
def _embed(x_hbm, w_hbm, out_hbm, idx_v, rows_v, isem, gsem, ssem):
    wid = lax.axis_index("s") * NC + lax.axis_index("c")
    row0 = wid * RPW

    def idx_copy(b, j, sem_op):
        sem_op(x_hbm.at[pl.ds(row0 + j * CROWS, CROWS)], idx_v.at[b],
               isem.at[b])

    def fire_gathers(b):
        for k in range(CROWS):
            pltpu.async_copy(w_hbm.at[idx_v.at[b, k]], rows_v.at[b, k],
                             gsem.at[b])

    def wait_gathers(b):
        for k in range(CROWS):
            pltpu.make_async_copy(w_hbm.at[idx_v.at[b, k]], rows_v.at[b, k],
                                  gsem.at[b]).wait()

    def store(b, j, sem_op):
        sem_op(rows_v.at[b], out_hbm.at[pl.ds(row0 + j * CROWS, CROWS)],
               ssem.at[b])

    _start = pltpu.async_copy

    def _wait(s, d, m):
        pltpu.make_async_copy(s, d, m).wait()

    for b in range(NBUF):
        idx_copy(b, b, _start)
    for b in range(NBUF):
        idx_copy(b, b, _wait)
        fire_gathers(b)

    def outer(i, carry):
        for b in range(NBUF):
            j = i * NBUF + b
            wait_gathers(b)
            store(b, j, _start)
            idx_copy(b, j + NBUF, _start)
            store(b, j, _wait)
            idx_copy(b, j + NBUF, _wait)
            fire_gathers(b)
        return carry

    lax.fori_loop(0, NCHUNK // NBUF - 1, outer, 0)

    for b in range(NBUF):
        wait_gathers(b)
        store(b, NCHUNK - NBUF + b, _start)
    for b in range(NBUF):
        store(b, NCHUNK - NBUF + b, _wait)


def kernel(x, weight):
    return _embed(x.astype(jnp.int32), weight)

# --- scband reference (transcript-rebuilt; emitter-appended) ---
"""Pipeline reference for scband-token-embedding-12266426597584 (READ-ONLY COPY).

The authoritative reference and input builder live on the scoring server;
editing this copy changes nothing except your own understanding.
"""

import jax, jax.numpy as jnp
import numpy as np

VOCAB = 1000000
DIM = 64
BATCH = 16384
HIST = 200

def setup_inputs(seed: int = 0) -> dict:
    key = jax.random.key(seed)
    k_idx, k_w = jax.random.split(key)
    x = jax.random.randint(k_idx, (BATCH, HIST), 0, VOCAB, dtype=jnp.int64 if jax.config.jax_enable_x64 else jnp.int32)
    weight = jax.random.normal(k_w, (VOCAB, DIM), dtype=jnp.float32) * 0.02
    return {"x": x, "weight": weight}

def reference(x, weight):
    # F.embedding(x, weight) == gather rows of weight by x
    return jnp.take(weight, x, axis=0)

if __name__ == "__main__":
    import jax
    _d = setup_inputs()
    print(jax.jit(kernel)(*tuple(_d.values())))

</pallas_src>

<mosaic_0001>
#map = affine_map<(d0, d1) -> (0, 0)>
#map1 = affine_map<(d0, d1) -> (0, 0, 0)>
module attributes {stable_mosaic.version = 14 : i64} {
  func.func @_embed(%arg0: i32, %arg1: i32, %arg2: memref<16384x200xi32, #tpu.memory_space<hbm>>, %arg3: memref<1000000x64xf32, #tpu.memory_space<hbm>>, %arg4: memref<16384x200x64xf32, #tpu.memory_space<hbm>>, %arg5: memref<2x4x200xi32, #tpu.memory_space<vmem>>, %arg6: memref<2x4x200x64xf32, #tpu.memory_space<vmem>>, %arg7: memref<2x!tpu.dma_semaphore, #tpu.memory_space<semaphore_mem>>, %arg8: memref<2x!tpu.dma_semaphore, #tpu.memory_space<semaphore_mem>>, %arg9: memref<2x!tpu.dma_semaphore, #tpu.memory_space<semaphore_mem>>) attributes {dimension_semantics = [#tpu.dimension_semantics<core_parallel>, #tpu.dimension_semantics<subcore_parallel>], iteration_bounds = array<i64: 2, 16>, scalar_prefetch = 0 : i64, scratch_operands = 5 : i64, tpu.core_type = #tpu.core_type<sc_vector_subcore>, window_params = [{transform_indices = #map}, {transform_indices = #map}, {transform_indices = #map1}]} {
    %mul3A = arith.constant 2 : i32
    %mul3A_0 = arith.muli %arg1, %mul3A : i32
    %add3A = arith.addi %mul3A_0, %arg0 : i32
    %mul3A_1 = arith.constant 512 : i32
    %mul3A_2 = arith.muli %add3A, %mul3A_1 : i32
    %add3A_3 = arith.constant 0 : i32
    %add3A_4 = arith.addi %mul3A_2, %add3A_3 : i32
    %dma_start3A = arith.constant 0 : i32
    %dma_start3A_5 = arith.constant 0 : i32
    %dma_start3A_6 = arith.constant 0 : i32
    %dma_start3A_7 = arith.constant 0 : i32
    %dma_start3A_8 = tpu.memref_slice %arg5[%dma_start3A, %dma_start3A_6, %dma_start3A_7] : memref<2x4x200xi32, #tpu.memory_space<vmem>> -> memref<1x4x200xi32, #tpu.memory_space<vmem>>
    %dma_start3A_9 = tpu.memref_squeeze %dma_start3A_8 : memref<1x4x200xi32, #tpu.memory_space<vmem>> -> memref<4x200xi32, #tpu.memory_space<vmem>>
    %dma_start3A_10 = arith.constant 0 : i32
    %dma_start3A_11 = tpu.memref_slice %arg2[%add3A_4, %dma_start3A_10] : memref<16384x200xi32, #tpu.memory_space<hbm>> -> memref<4x200xi32, #tpu.memory_space<hbm>>
    %dma_start3A_12 = tpu.memref_slice %arg7[%dma_start3A_5] : memref<2x!tpu.dma_semaphore, #tpu.memory_space<semaphore_mem>> -> memref<1x!tpu.dma_semaphore, #tpu.memory_space<semaphore_mem>>
    %dma_start3A_13 = tpu.memref_squeeze %dma_start3A_12 : memref<1x!tpu.dma_semaphore, #tpu.memory_space<semaphore_mem>> -> memref<!tpu.dma_semaphore, #tpu.memory_space<semaphore_mem>>
    %dma_start3A_14 = arith.constant 0 : i32
    %dma_start3A_15 = arith.constant 0 : i32
    %dma_start3A_16 = tpu.memref_slice %arg5[%dma_start3A, %dma_start3A_14, %dma_start3A_15] : memref<2x4x200xi32, #tpu.memory_space<vmem>> -> memref<1x4x200xi32, #tpu.memory_space<vmem>>
    %dma_start3A_17 = tpu.memref_squeeze %dma_start3A_16 : memref<1x4x200xi32, #tpu.memory_space<vmem>> -> memref<4x200xi32, #tpu.memory_space<vmem>>
    %dma_start3A_18 = arith.constant 0 : i32
    %dma_start3A_19 = tpu.memref_slice %arg2[%add3A_4, %dma_start3A_18] : memref<16384x200xi32, #tpu.memory_space<hbm>> -> memref<4x200xi32, #tpu.memory_space<hbm>>
    tpu.enqueue_dma source(%dma_start3A_19 : memref<4x200xi32, #tpu.memory_space<hbm>>) target(%dma_start3A_17 : memref<4x200xi32, #tpu.memory_space<vmem>>) target_semaphore(%dma_start3A_13 : memref<!tpu.dma_semaphore, #tpu.memory_space<semaphore_mem>>)
    %add3A_20 = arith.constant 4 : i32
    %add3A_21 = arith.addi %mul3A_2, %add3A_20 : i32
    %dma_start3A_22 = arith.constant 1 : i32
    %dma_start3A_23 = arith.constant 1 : i32
    %dma_start3A_24 = arith.constant 0 : i32
    %dma_start3A_25 = arith.constant 0 : i32
    %dma_start3A_26 = tpu.memref_slice %arg5[%dma_start3A_22, %dma_start3A_24, %dma_start3A_25] : memref<2x4x200xi32, #tpu.memory_space<vmem>> -> memref<1x4x200xi32, #tpu.memory_space<vmem>>
    %dma_start3A_27 = tpu.memref_squeeze %dma_start3A_26 : memref<1x4x200xi32, #tpu.memory_space<vmem>> -> memref<4x200xi32, #tpu.memory_space<vmem>>
    %dma_start3A_28 = arith.constant 0 : i32
    %dma_start3A_29 = tpu.memref_slice %arg2[%add3A_21, %dma_start3A_28] : memref<16384x200xi32, #tpu.memory_space<hbm>> -> memref<4x200xi32, #tpu.memory_space<hbm>>
    %dma_start3A_30 = tpu.memref_slice %arg7[%dma_start3A_23] : memref<2x!tpu.dma_semaphore, #tpu.memory_space<semaphore_mem>> -> memref<1x!tpu.dma_semaphore, #tpu.memory_space<semaphore_mem>>
    %dma_start3A_31 = tpu.memref_squeeze %dma_start3A_30 : memref<1x!tpu.dma_semaphore, #tpu.memory_space<semaphore_mem>> -> memref<!tpu.dma_semaphore, #tpu.memory_space<semaphore_mem>>
    %dma_start3A_32 = arith.constant 0 : i32
    %dma_start3A_33 = arith.constant 0 : i32
    %dma_start3A_34 = tpu.memref_slice %arg5[%dma_start3A_22, %dma_start3A_32, %dma_start3A_33] : memref<2x4x200xi32, #tpu.memory_space<vmem>> -> memref<1x4x200xi32, #tpu.memory_space<vmem>>
    %dma_start3A_35 = tpu.memref_squeeze %dma_start3A_34 : memref<1x4x200xi32, #tpu.memory_space<vmem>> -> memref<4x200xi32, #tpu.memory_space<vmem>>
    %dma_start3A_36 = arith.constant 0 : i32
    %dma_start3A_37 = tpu.memref_slice %arg2[%add3A_21, %dma_start3A_36] : memref<16384x200xi32, #tpu.memory_space<hbm>> -> memref<4x200xi32, #tpu.memory_space<hbm>>
    tpu.enqueue_dma source(%dma_start3A_37 : memref<4x200xi32, #tpu.memory_space<hbm>>) target(%dma_start3A_35 : memref<4x200xi32, #tpu.memory_space<vmem>>) target_semaphore(%dma_start3A_31 : memref<!tpu.dma_semaphore, #tpu.memory_space<semaphore_mem>>)
    %add3A_38 = arith.constant 0 : i32
    %add3A_39 = arith.addi %mul3A_2, %add3A_38 : i32
    %dma_wait3A = arith.constant 0 : i32
    %dma_wait3A_40 = arith.constant 0 : i32
    %dma_wait3A_41 = arith.constant 0 : i32
    %dma_wait3A_42 = arith.constant 0 : i32
    %dma_wait3A_43 = tpu.memref_slice %arg5[%dma_wait3A, %dma_wait3A_41, %dma_wait3A_42] : memref<2x4x200xi32, #tpu.memory_space<vmem>> -> memref<1x4x200xi32, #tpu.memory_space<vmem>>
    %dma_wait3A_44 = tpu.memref_squeeze %dma_wait3A_43 : memref<1x4x200xi32, #tpu.memory_space<vmem>> -> memref<4x200xi32, #tpu.memory_space<vmem>>
    %dma_wait3A_45 = arith.constant 0 : i32
    %dma_wait3A_46 = tpu.memref_slice %arg2[%add3A_39, %dma_wait3A_45] : memref<16384x200xi32, #tpu.memory_space<hbm>> -> memref<4x200xi32, #tpu.memory_space<hbm>>
    %dma_wait3A_47 = tpu.memref_slice %arg7[%dma_wait3A_40] : memref<2x!tpu.dma_semaphore, #tpu.memory_space<semaphore_mem>> -> memref<1x!tpu.dma_semaphore, #tpu.memory_space<semaphore_mem>>
    %dma_wait3A_48 = tpu.memref_squeeze %dma_wait3A_47 : memref<1x!tpu.dma_semaphore, #tpu.memory_space<semaphore_mem>> -> memref<!tpu.dma_semaphore, #tpu.memory_space<semaphore_mem>>
    %dma_wait3A_49 = arith.constant 0 : i32
    %dma_wait3A_50 = arith.constant 0 : i32
    %dma_wait3A_51 = tpu.memref_slice %arg5[%dma_wait3A, %dma_wait3A_49, %dma_wait3A_50] : memref<2x4x200xi32, #tpu.memory_space<vmem>> -> memref<1x4x200xi32, #tpu.memory_space<vmem>>
    %dma_wait3A_52 = tpu.memref_squeeze %dma_wait3A_51 : memref<1x4x200xi32, #tpu.memory_space<vmem>> -> memref<4x200xi32, #tpu.memory_space<vmem>>
    %dma_wait3A_53 = arith.constant 0 : i32
    %dma_wait3A_54 = tpu.memref_slice %arg2[%add3A_39, %dma_wait3A_53] : memref<16384x200xi32, #tpu.memory_space<hbm>> -> memref<4x200xi32, #tpu.memory_space<hbm>>
    tpu.wait_dma2 semaphore(%dma_wait3A_48 : memref<!tpu.dma_semaphore, #tpu.memory_space<semaphore_mem>>) src(%dma_wait3A_54 : memref<4x200xi32, #tpu.memory_space<hbm>>) dst(%dma_wait3A_52 : memref<4x200xi32, #tpu.memory_space<vmem>>)
    %dma_start3A_55 = arith.constant 0 : i32
    %dma_start3A_56 = arith.constant 0 : i32
    %dma_start3A_57 = arith.constant 0 : i32
    %dma_start3A_58 = arith.constant 0 : i32
    %dma_start3A_59 = arith.constant 0 : i32
    %dma_start3A_60 = arith.constant 0 : i32
    %dma_start3A_61 = arith.constant 0 : i32
    %dma_start3A_62 = tpu.memref_slice %arg6[%dma_start3A_57, %dma_start3A_58, %dma_start3A_60, %dma_start3A_61] : memref<2x4x200x64xf32, #tpu.memory_space<vmem>> -> memref<1x1x200x64xf32, #tpu.memory_space<vmem>>
    %dma_start3A_63 = tpu.memref_squeeze %dma_start3A_62 : memref<1x1x200x64xf32, #tpu.memory_space<vmem>> -> memref<200x64xf32, #tpu.memory_space<vmem>>
    %dma_start3A_64 = arith.constant 0 : i32
    %dma_start3A_65 = tpu.memref_slice %arg5[%dma_start3A_55, %dma_start3A_56, %dma_start3A_64] : memref<2x4x200xi32, #tpu.memory_space<vmem>> -> memref<1x1x200xi32, #tpu.memory_space<vmem>>
    %dma_start3A_66 = tpu.memref_squeeze %dma_start3A_65 : memref<1x1x200xi32, #tpu.memory_space<vmem>> -> memref<200xi32, #tpu.memory_space<vmem>>
    %dma_start3A_67 = arith.constant 0 : i32
    %dma_start3A_68 = arith.constant 0 : i32
    %dma_start3A_69 = tpu.memref_slice %arg3[%dma_start3A_67, %dma_start3A_68] : memref<1000000x64xf32, #tpu.memory_space<hbm>> -> memref<1000000x64xf32, #tpu.memory_space<hbm>>
    %dma_start3A_70 = tpu.memref_slice %arg8[%dma_start3A_59] : memref<2x!tpu.dma_semaphore, #tpu.memory_space<semaphore_mem>> -> memref<1x!tpu.dma_semaphore, #tpu.memory_space<semaphore_mem>>
    %dma_start3A_71 = tpu.memref_squeeze %dma_start3A_70 : memref<1x!tpu.dma_semaphore, #tpu.memory_space<semaphore_mem>> -> memref<!tpu.dma_semaphore, #tpu.memory_space<semaphore_mem>>
    tpu.enqueue_indirect_dma source(%dma_start3A_69 : memref<1000000x64xf32, #tpu.memory_space<hbm>>) target(%dma_start3A_63 : memref<200x64xf32, #tpu.memory_space<vmem>>) offsets(%dma_start3A_66 : memref<200xi32, #tpu.memory_space<vmem>>) semaphore(%dma_start3A_71 : memref<!tpu.dma_semaphore, #tpu.memory_space<semaphore_mem>>)
    %dma_start3A_72 = arith.constant 0 : i32
    %dma_start3A_73 = arith.constant 1 : i32
    %dma_start3A_74 = arith.constant 0 : i32
    %dma_start3A_75 = arith.constant 1 : i32
    %dma_start3A_76 = arith.constant 0 : i32
    %dma_start3A_77 = arith.constant 0 : i32
    %dma_start3A_78 = arith.constant 0 : i32
    %dma_start3A_79 = tpu.memref_slice %arg6[%dma_start3A_74, %dma_start3A_75, %dma_start3A_77, %dma_start3A_78] : memref<2x4x200x64xf32, #tpu.memory_space<vmem>> -> memref<1x1x200x64xf32, #tpu.memory_space<vmem>>
    %dma_start3A_80 = tpu.memref_squeeze %dma_start3A_79 : memref<1x1x200x64xf32, #tpu.memory_space<vmem>> -> memref<200x64xf32, #tpu.memory_space<vmem>>
    %dma_start3A_81 = arith.constant 0 : i32
    %dma_start3A_82 = tpu.memref_slice %arg5[%dma_start3A_72, %dma_start3A_73, %dma_start3A_81] : memref<2x4x200xi32, #tpu.memory_space<vmem>> -> memref<1x1x200xi32, #tpu.memory_space<vmem>>
    %dma_start3A_83 = tpu.memref_squeeze %dma_start3A_82 : memref<1x1x200xi32, #tpu.memory_space<vmem>> -> memref<200xi32, #tpu.memory_space<vmem>>
    %dma_start3A_84 = arith.constant 0 : i32
    %dma_start3A_85 = arith.constant 0 : i32
    %dma_start3A_86 = tpu.memref_slice %arg3[%dma_start3A_84, %dma_start3A_85] : memref<1000000x64xf32, #tpu.memory_space<hbm>> -> memref<1000000x64xf32, #tpu.memory_space<hbm>>
    %dma_start3A_87 = tpu.memref_slice %arg8[%dma_start3A_76] : memref<2x!tpu.dma_semaphore, #tpu.memory_space<semaphore_mem>> -> memref<1x!tpu.dma_semaphore, #tpu.memory_space<semaphore_mem>>
    %dma_start3A_88 = tpu.memref_squeeze %dma_start3A_87 : memref<1x!tpu.dma_semaphore, #tpu.memory_space<semaphore_mem>> -> memref<!tpu.dma_semaphore, #tpu.memory_space<semaphore_mem>>
    tpu.enqueue_indirect_dma source(%dma_start3A_86 : memref<1000000x64xf32, #tpu.memory_space<hbm>>) target(%dma_start3A_80 : memref<200x64xf32, #tpu.memory_space<vmem>>) offsets(%dma_start3A_83 : memref<200xi32, #tpu.memory_space<vmem>>) semaphore(%dma_start3A_88 : memref<!tpu.dma_semaphore, #tpu.memory_space<semaphore_mem>>)
    %dma_start3A_89 = arith.constant 0 : i32
    %dma_start3A_90 = arith.constant 2 : i32
    %dma_start3A_91 = arith.constant 0 : i32
    %dma_start3A_92 = arith.constant 2 : i32
    %dma_start3A_93 = arith.constant 0 : i32
    %dma_start3A_94 = arith.constant 0 : i32
    %dma_start3A_95 = arith.constant 0 : i32
    %dma_start3A_96 = tpu.memref_slice %arg6[%dma_start3A_91, %dma_start3A_92, %dma_start3A_94, %dma_start3A_95] : memref<2x4x200x64xf32, #tpu.memory_space<vmem>> -> memref<1x1x200x64xf32, #tpu.memory_space<vmem>>
    %dma_start3A_97 = tpu.memref_squeeze %dma_start3A_96 : memref<1x1x200x64xf32, #tpu.memory_space<vmem>> -> memref<200x64xf32, #tpu.memory_space<vmem>>
    %dma_start3A_98 = arith.constant 0 : i32
    %dma_start3A_99 = tpu.memref_slice %arg5[%dma_start3A_89, %dma_start3A_90, %dma_start3A_98] : memref<2x4x200xi32, #tpu.memory_space<vmem>> -> memref<1x1x200xi32, #tpu.memory_space<vmem>>
    %dma_start3A_100 = tpu.memref_squeeze %dma_start3A_99 : memref<1x1x200xi32, #tpu.memory_space<vmem>> -> memref<200xi32, #tpu.memory_space<vmem>>
    %dma_start3A_101 = arith.constant 0 : i32
    %dma_start3A_102 = arith.constant 0 : i32
    %dma_start3A_103 = tpu.memref_slice %arg3[%dma_start3A_101, %dma_start3A_102] : memref<1000000x64xf32, #tpu.memory_space<hbm>> -> memref<1000000x64xf32, #tpu.memory_space<hbm>>
    %dma_start3A_104 = tpu.memref_slice %arg8[%dma_start3A_93] : memref<2x!tpu.dma_semaphore, #tpu.memory_space<semaphore_mem>> -> memref<1x!tpu.dma_semaphore, #tpu.memory_space<semaphore_mem>>
    %dma_start3A_105 = tpu.memref_squeeze %dma_start3A_104 : memref<1x!tpu.dma_semaphore, #tpu.memory_space<semaphore_mem>> -> memref<!tpu.dma_semaphore, #tpu.memory_space<semaphore_mem>>
    tpu.enqueue_indirect_dma source(%dma_start3A_103 : memref<1000000x64xf32, #tpu.memory_space<hbm>>) target(%dma_start3A_97 : memref<200x64xf32, #tpu.memory_space<vmem>>) offsets(%dma_start3A_100 : memref<200xi32, #tpu.memory_space<vmem>>) semaphore(%dma_start3A_105 : memref<!tpu.dma_semaphore, #tpu.memory_space<semaphore_mem>>)
    %dma_start3A_106 = arith.constant 0 : i32
    %dma_start3A_107 = arith.constant 3 : i32
    %dma_start3A_108 = arith.constant 0 : i32
    %dma_start3A_109 = arith.constant 3 : i32
    %dma_start3A_110 = arith.constant 0 : i32
    %dma_start3A_111 = arith.constant 0 : i32
    %dma_start3A_112 = arith.constant 0 : i32
    %dma_start3A_113 = tpu.memref_slice %arg6[%dma_start3A_108, %dma_start3A_109, %dma_start3A_111, %dma_start3A_112] : memref<2x4x200x64xf32, #tpu.memory_space<vmem>> -> memref<1x1x200x64xf32, #tpu.memory_space<vmem>>
    %dma_start3A_114 = tpu.memref_squeeze %dma_start3A_113 : memref<1x1x200x64xf32, #tpu.memory_space<vmem>> -> memref<200x64xf32, #tpu.memory_space<vmem>>
    %dma_start3A_115 = arith.constant 0 : i32
    %dma_start3A_116 = tpu.memref_slice %arg5[%dma_start3A_106, %dma_start3A_107, %dma_start3A_115] : memref<2x4x200xi32, #tpu.memory_space<vmem>> -> memref<1x1x200xi32, #tpu.memory_space<vmem>>
    %dma_start3A_117 = tpu.memref_squeeze %dma_start3A_116 : memref<1x1x200xi32, #tpu.memory_space<vmem>> -> memref<200xi32, #tpu.memory_space<vmem>>
    %dma_start3A_118 = arith.constant 0 : i32
    %dma_start3A_119 = arith.constant 0 : i32
    %dma_start3A_120 = tpu.memref_slice %arg3[%dma_start3A_118, %dma_start3A_119] : memref<1000000x64xf32, #tpu.memory_space<hbm>> -> memref<1000000x64xf32, #tpu.memory_space<hbm>>
    %dma_start3A_121 = tpu.memref_slice %arg8[%dma_start3A_110] : memref<2x!tpu.dma_semaphore, #tpu.memory_space<semaphore_mem>> -> memref<1x!tpu.dma_semaphore, #tpu.memory_space<semaphore_mem>>
    %dma_start3A_122 = tpu.memref_squeeze %dma_start3A_121 : memref<1x!tpu.dma_semaphore, #tpu.memory_space<semaphore_mem>> -> memref<!tpu.dma_semaphore, #tpu.memory_space<semaphore_mem>>
    tpu.enqueue_indirect_dma source(%dma_start3A_120 : memref<1000000x64xf32, #tpu.memory_space<hbm>>) target(%dma_start3A_114 : memref<200x64xf32, #tpu.memory_space<vmem>>) offsets(%dma_start3A_117 : memref<200xi32, #tpu.memory_space<vmem>>) semaphore(%dma_start3A_122 : memref<!tpu.dma_semaphore, #tpu.memory_space<semaphore_mem>>)
    %add3A_123 = arith.constant 4 : i32
    %add3A_124 = arith.addi %mul3A_2, %add3A_123 : i32
    %dma_wait3A_125 = arith.constant 1 : i32
    %dma_wait3A_126 = arith.constant 1 : i32
    %dma_wait3A_127 = arith.constant 0 : i32
    %dma_wait3A_128 = arith.constant 0 : i32
    %dma_wait3A_129 = tpu.memref_slice %arg5[%dma_wait3A_125, %dma_wait3A_127, %dma_wait3A_128] : memref<2x4x200xi32, #tpu.memory_space<vmem>> -> memref<1x4x200xi32, #tpu.memory_space<vmem>>
    %dma_wait3A_130 = tpu.memref_squeeze %dma_wait3A_129 : memref<1x4x200xi32, #tpu.memory_space<vmem>> -> memref<4x200xi32, #tpu.memory_space<vmem>>
    %dma_wait3A_131 = arith.constant 0 : i32
    %dma_wait3A_132 = tpu.memref_slice %arg2[%add3A_124, %dma_wait3A_131] : memref<16384x200xi32, #tpu.memory_space<hbm>> -> memref<4x200xi32, #tpu.memory_space<hbm>>
    %dma_wait3A_133 = tpu.memref_slice %arg7[%dma_wait3A_126] : memref<2x!tpu.dma_semaphore, #tpu.memory_space<semaphore_mem>> -> memref<1x!tpu.dma_semaphore, #tpu.memory_space<semaphore_mem>>
    %dma_wait3A_134 = tpu.memref_squeeze %dma_wait3A_133 : memref<1x!tpu.dma_semaphore, #tpu.memory_space<semaphore_mem>> -> memref<!tpu.dma_semaphore, #tpu.memory_space<semaphore_mem>>
    %dma_wait3A_135 = arith.constant 0 : i32
    %dma_wait3A_136 = arith.constant 0 : i32
    %dma_wait3A_137 = tpu.memref_slice %arg5[%dma_wait3A_125, %dma_wait3A_135, %dma_wait3A_136] : memref<2x4x200xi32, #tpu.memory_space<vmem>> -> memref<1x4x200xi32, #tpu.memory_space<vmem>>
    %dma_wait3A_138 = tpu.memref_squeeze %dma_wait3A_137 : memref<1x4x200xi32, #tpu.memory_space<vmem>> -> memref<4x200xi32, #tpu.memory_space<vmem>>
    %dma_wait3A_139 = arith.constant 0 : i32
    %dma_wait3A_140 = tpu.memref_slice %arg2[%add3A_124, %dma_wait3A_139] : memref<16384x200xi32, #tpu.memory_space<hbm>> -> memref<4x200xi32, #tpu.memory_space<hbm>>
    tpu.wait_dma2 semaphore(%dma_wait3A_134 : memref<!tpu.dma_semaphore, #tpu.memory_space<semaphore_mem>>) src(%dma_wait3A_140 : memref<4x200xi32, #tpu.memory_space<hbm>>) dst(%dma_wait3A_138 : memref<4x200xi32, #tpu.memory_space<vmem>>)
    %dma_start3A_141 = arith.constant 1 : i32
    %dma_start3A_142 = arith.constant 0 : i32
    %dma_start3A_143 = arith.constant 1 : i32
    %dma_start3A_144 = arith.constant 0 : i32
    %dma_start3A_145 = arith.constant 1 : i32
    %dma_start3A_146 = arith.constant 0 : i32
    %dma_start3A_147 = arith.constant 0 : i32
    %dma_start3A_148 = tpu.memref_slice %arg6[%dma_start3A_143, %dma_start3A_144, %dma_start3A_146, %dma_start3A_147] : memref<2x4x200x64xf32, #tpu.memory_space<vmem>> -> memref<1x1x200x64xf32, #tpu.memory_space<vmem>>
    %dma_start3A_149 = tpu.memref_squeeze %dma_start3A_148 : memref<1x1x200x64xf32, #tpu.memory_space<vmem>> -> memref<200x64xf32, #tpu.memory_space<vmem>>
    %dma_start3A_150 = arith.constant 0 : i32
    %dma_start3A_151 = tpu.memref_slice %arg5[%dma_start3A_141, %dma_start3A_142, %dma_start3A_150] : memref<2x4x200xi32, #tpu.memory_space<vmem>> -> memref<1x1x200xi32, #tpu.memory_space<vmem>>
    %dma_start3A_152 = tpu.memref_squeeze %dma_start3A_151 : memref<1x1x200xi32, #tpu.memory_space<vmem>> -> memref<200xi32, #tpu.memory_space<vmem>>
    %dma_start3A_153 = arith.constant 0 : i32
    %dma_start3A_154 = arith.constant 0 : i32
    %dma_start3A_155 = tpu.memref_slice %arg3[%dma_start3A_153, %dma_start3A_154] : memref<1000000x64xf32, #tpu.memory_space<hbm>> -> memref<1000000x64xf32, #tpu.memory_space<hbm>>
    %dma_start3A_156 = tpu.memref_slice %arg8[%dma_start3A_145] : memref<2x!tpu.dma_semaphore, #tpu.memory_space<semaphore_mem>> -> memref<1x!tpu.dma_semaphore, #tpu.memory_space<semaphore_mem>>
    %dma_start3A_157 = tpu.memref_squeeze %dma_start3A_156 : memref<1x!tpu.dma_semaphore, #tpu.memory_space<semaphore_mem>> -> memref<!tpu.dma_semaphore, #tpu.memory_space<semaphore_mem>>
    tpu.enqueue_indirect_dma source(%dma_start3A_155 : memref<1000000x64xf32, #tpu.memory_space<hbm>>) target(%dma_start3A_149 : memref<200x64xf32, #tpu.memory_space<vmem>>) offsets(%dma_start3A_152 : memref<200xi32, #tpu.memory_space<vmem>>) semaphore(%dma_start3A_157 : memref<!tpu.dma_semaphore, #tpu.memory_space<semaphore_mem>>)
    %dma_start3A_158 = arith.constant 1 : i32
    %dma_start3A_159 = arith.constant 1 : i32
    %dma_start3A_160 = arith.constant 1 : i32
    %dma_start3A_161 = arith.constant 1 : i32
    %dma_start3A_162 = arith.constant 1 : i32
    %dma_start3A_163 = arith.constant 0 : i32
    %dma_start3A_164 = arith.constant 0 : i32
    %dma_start3A_165 = tpu.memref_slice %arg6[%dma_start3A_160, %dma_start3A_161, %dma_start3A_163, %dma_start3A_164] : memref<2x4x200x64xf32, #tpu.memory_space<vmem>> -> memref<1x1x200x64xf32, #tpu.memory_space<vmem>>
    %dma_start3A_166 = tpu.memref_squeeze %dma_start3A_165 : memref<1x1x200x64xf32, #tpu.memory_space<vmem>> -> memref<200x64xf32, #tpu.memory_space<vmem>>
    %dma_start3A_167 = arith.constant 0 : i32
    %dma_start3A_168 = tpu.memref_slice %arg5[%dma_start3A_158, %dma_start3A_159, %dma_start3A_167] : memref<2x4x200xi32, #tpu.memory_space<vmem>> -> memref<1x1x200xi32, #tpu.memory_space<vmem>>
    %dma_start3A_169 = tpu.memref_squeeze %dma_start3A_168 : memref<1x1x200xi32, #tpu.memory_space<vmem>> -> memref<200xi32, #tpu.memory_space<vmem>>
    %dma_start3A_170 = arith.constant 0 : i32
    %dma_start3A_171 = arith.constant 0 : i32
    %dma_start3A_172 = tpu.memref_slice %arg3[%dma_start3A_170, %dma_start3A_171] : memref<1000000x64xf32, #tpu.memory_space<hbm>> -> memref<1000000x64xf32, #tpu.memory_space<hbm>>
    %dma_start3A_173 = tpu.memref_slice %arg8[%dma_start3A_162] : memref<2x!tpu.dma_semaphore, #tpu.memory_space<semaphore_mem>> -> memref<1x!tpu.dma_semaphore, #tpu.memory_space<semaphore_mem>>
    %dma_start3A_174 = tpu.memref_squeeze %dma_start3A_173 : memref<1x!tpu.dma_semaphore, #tpu.memory_space<semaphore_mem>> -> memref<!tpu.dma_semaphore, #tpu.memory_space<semaphore_mem>>
    tpu.enqueue_indirect_dma source(%dma_start3A_172 : memref<1000000x64xf32, #tpu.memory_space<hbm>>) target(%dma_start3A_166 : memref<200x64xf32, #tpu.memory_space<vmem>>) offsets(%dma_start3A_169 : memref<200xi32, #tpu.memory_space<vmem>>) semaphore(%dma_start3A_174 : memref<!tpu.dma_semaphore, #tpu.memory_space<semaphore_mem>>)
    %dma_start3A_175 = arith.constant 1 : i32
    %dma_start3A_176 = arith.constant 2 : i32
    %dma_start3A_177 = arith.constant 1 : i32
    %dma_start3A_178 = arith.constant 2 : i32
    %dma_start3A_179 = arith.constant 1 : i32
    %dma_start3A_180 = arith.constant 0 : i32
    %dma_start3A_181 = arith.constant 0 : i32
    %dma_start3A_182 = tpu.memref_slice %arg6[%dma_start3A_177, %dma_start3A_178, %dma_start3A_180, %dma_start3A_181] : memref<2x4x200x64xf32, #tpu.memory_space<vmem>> -> memref<1x1x200x64xf32, #tpu.memory_space<vmem>>
    %dma_start3A_183 = tpu.memref_squeeze %dma_start3A_182 : memref<1x1x200x64xf32, #tpu.memory_space<vmem>> -> memref<200x64xf32, #tpu.memory_space<vmem>>
    %dma_start3A_184 = arith.constant 0 : i32
    %dma_start3A_185 = tpu.memref_slice %arg5[%dma_start3A_175, %dma_start3A_176, %dma_start3A_184] : memref<2x4x200xi32, #tpu.memory_space<vmem>> -> memref<1x1x200xi32, #tpu.memory_space<vmem>>
    %dma_start3A_186 = tpu.memref_squeeze %dma_start3A_185 : memref<1x1x200xi32, #tpu.memory_space<vmem>> -> memref<200xi32, #tpu.memory_space<vmem>>
    %dma_start3A_187 = arith.constant 0 : i32
    %dma_start3A_188 = arith.constant 0 : i32
    %dma_start3A_189 = tpu.memref_slice %arg3[%dma_start3A_187, %dma_start3A_188] : memref<1000000x64xf32, #tpu.memory_space<hbm>> -> memref<1000000x64xf32, #tpu.memory_space<hbm>>
    %dma_start3A_190 = tpu.memref_slice %arg8[%dma_start3A_179] : memref<2x!tpu.dma_semaphore, #tpu.memory_space<semaphore_mem>> -> memref<1x!tpu.dma_semaphore, #tpu.memory_space<semaphore_mem>>
    %dma_start3A_191 = tpu.memref_squeeze %dma_start3A_190 : memref<1x!tpu.dma_semaphore, #tpu.memory_space<semaphore_mem>> -> memref<!tpu.dma_semaphore, #tpu.memory_space<semaphore_mem>>
    tpu.enqueue_indirect_dma source(%dma_start3A_189 : memref<1000000x64xf32, #tpu.memory_space<hbm>>) target(%dma_start3A_183 : memref<200x64xf32, #tpu.memory_space<vmem>>) offsets(%dma_start3A_186 : memref<200xi32, #tpu.memory_space<vmem>>) semaphore(%dma_start3A_191 : memref<!tpu.dma_semaphore, #tpu.memory_space<semaphore_mem>>)
    %dma_start3A_192 = arith.constant 1 : i32
    %dma_start3A_193 = arith.constant 3 : i32
    %dma_start3A_194 = arith.constant 1 : i32
    %dma_start3A_195 = arith.constant 3 : i32
    %dma_start3A_196 = arith.constant 1 : i32
    %dma_start3A_197 = arith.constant 0 : i32
    %dma_start3A_198 = arith.constant 0 : i32
    %dma_start3A_199 = tpu.memref_slice %arg6[%dma_start3A_194, %dma_start3A_195, %dma_start3A_197, %dma_start3A_198] : memref<2x4x200x64xf32, #tpu.memory_space<vmem>> -> memref<1x1x200x64xf32, #tpu.memory_space<vmem>>
    %dma_start3A_200 = tpu.memref_squeeze %dma_start3A_199 : memref<1x1x200x64xf32, #tpu.memory_space<vmem>> -> memref<200x64xf32, #tpu.memory_space<vmem>>
    %dma_start3A_201 = arith.constant 0 : i32
    %dma_start3A_202 = tpu.memref_slice %arg5[%dma_start3A_192, %dma_start3A_193, %dma_start3A_201] : memref<2x4x200xi32, #tpu.memory_space<vmem>> -> memref<1x1x200xi32, #tpu.memory_space<vmem>>
    %dma_start3A_203 = tpu.memref_squeeze %dma_start3A_202 : memref<1x1x200xi32, #tpu.memory_space<vmem>> -> memref<200xi32, #tpu.memory_space<vmem>>
    %dma_start3A_204 = arith.constant 0 : i32
    %dma_start3A_205 = arith.constant 0 : i32
    %dma_start3A_206 = tpu.memref_slice %arg3[%dma_start3A_204, %dma_start3A_205] : memref<1000000x64xf32, #tpu.memory_space<hbm>> -> memref<1000000x64xf32, #tpu.memory_space<hbm>>
    %dma_start3A_207 = tpu.memref_slice %arg8[%dma_start3A_196] : memref<2x!tpu.dma_semaphore, #tpu.memory_space<semaphore_mem>> -> memref<1x!tpu.dma_semaphore, #tpu.memory_space<semaphore_mem>>
    %dma_start3A_208 = tpu.memref_squeeze %dma_start3A_207 : memref<1x!tpu.dma_semaphore, #tpu.memory_space<semaphore_mem>> -> memref<!tpu.dma_semaphore, #tpu.memory_space<semaphore_mem>>
    tpu.enqueue_indirect_dma source(%dma_start3A_206 : memref<1000000x64xf32, #tpu.memory_space<hbm>>) target(%dma_start3A_200 : memref<200x64xf32, #tpu.memory_space<vmem>>) offsets(%dma_start3A_203 : memref<200xi32, #tpu.memory_space<vmem>>) semaphore(%dma_start3A_208 : memref<!tpu.dma_semaphore, #tpu.memory_space<semaphore_mem>>)
    %scan3A = arith.constant 0 : i32
    %scan3A_209 = arith.constant 0 : i32
    %scan3A_210 = arith.constant 63 : i32
    %scan3A_211 = arith.addi %scan3A_209, %scan3A_210 : i32
    %scan3A_212 = arith.constant 1 : i32
    scf.for %scan3A_438 = %scan3A_209 to %scan3A_211 step %scan3A_212  : i32 {
      %mul3A_439 = arith.constant 2 : i32
      %mul3A_440 = arith.muli %scan3A_438, %mul3A_439 : i32
      %add3A_441 = arith.constant 0 : i32
      %add3A_442 = arith.addi %mul3A_440, %add3A_441 : i32
      %dma_wait3A_443 = arith.constant 0 : i32
      %dma_wait3A_444 = arith.constant 0 : i32
      %dma_wait3A_445 = arith.constant 0 : i32
      %dma_wait3A_446 = arith.constant 0 : i32
      %dma_wait3A_447 = arith.constant 0 : i32
      %dma_wait3A_448 = arith.constant 0 : i32
      %dma_wait3A_449 = arith.constant 0 : i32
      %dma_wait3A_450 = tpu.memref_slice %arg6[%dma_wait3A_445, %dma_wait3A_446, %dma_wait3A_448, %dma_wait3A_449] : memref<2x4x200x64xf32, #tpu.memory_space<vmem>> -> memref<1x1x200x64xf32, #tpu.memory_space<vmem>>
      %dma_wait3A_451 = tpu.memref_squeeze %dma_wait3A_450 : memref<1x1x200x64xf32, #tpu.memory_space<vmem>> -> memref<200x64xf32, #tpu.memory_space<vmem>>
      %dma_wait3A_452 = arith.constant 0 : i32
      %dma_wait3A_453 = tpu.memref_slice %arg5[%dma_wait3A_443, %dma_wait3A_444, %dma_wait3A_452] : memref<2x4x200xi32, #tpu.memory_space<vmem>> -> memref<1x1x200xi32, #tpu.memory_space<vmem>>
      %dma_wait3A_454 = tpu.memref_squeeze %dma_wait3A_453 : memref<1x1x200xi32, #tpu.memory_space<vmem>> -> memref<200xi32, #tpu.memory_space<vmem>>
      %dma_wait3A_455 = arith.constant 0 : i32
      %dma_wait3A_456 = arith.constant 0 : i32
      %dma_wait3A_457 = tpu.memref_slice %arg3[%dma_wait3A_455, %dma_wait3A_456] : memref<1000000x64xf32, #tpu.memory_space<hbm>> -> memref<1000000x64xf32, #tpu.memory_space<hbm>>
      %dma_wait3A_458 = tpu.memref_slice %arg8[%dma_wait3A_447] : memref<2x!tpu.dma_semaphore, #tpu.memory_space<semaphore_mem>> -> memref<1x!tpu.dma_semaphore, #tpu.memory_space<semaphore_mem>>
      %dma_wait3A_459 = tpu.memref_squeeze %dma_wait3A_458 : memref<1x!tpu.dma_semaphore, #tpu.memory_space<semaphore_mem>> -> memref<!tpu.dma_semaphore, #tpu.memory_space<semaphore_mem>>
      tpu.wait_indirect_dma semaphore(%dma_wait3A_459 : memref<!tpu.dma_semaphore, #tpu.memory_space<semaphore_mem>>) src(%dma_wait3A_457 : memref<1000000x64xf32, #tpu.memory_space<hbm>>) dst(%dma_wait3A_451 : memref<200x64xf32, #tpu.memory_space<vmem>>)
      %dma_wait3A_460 = arith.constant 0 : i32
      %dma_wait3A_461 = arith.constant 1 : i32
      %dma_wait3A_462 = arith.constant 0 : i32
      %dma_wait3A_463 = arith.constant 1 : i32
      %dma_wait3A_464 = arith.constant 0 : i32
      %dma_wait3A_465 = arith.constant 0 : i32
      %dma_wait3A_466 = arith.constant 0 : i32
      %dma_wait3A_467 = tpu.memref_slice %arg6[%dma_wait3A_462, %dma_wait3A_463, %dma_wait3A_465, %dma_wait3A_466] : memref<2x4x200x64xf32, #tpu.memory_space<vmem>> -> memref<1x1x200x64xf32, #tpu.memory_space<vmem>>
      %dma_wait3A_468 = tpu.memref_squeeze %dma_wait3A_467 : memref<1x1x200x64xf32, #tpu.memory_space<vmem>> -> memref<200x64xf32, #tpu.memory_space<vmem>>
      %dma_wait3A_469 = arith.constant 0 : i32
      %dma_wait3A_470 = tpu.memref_slice %arg5[%dma_wait3A_460, %dma_wait3A_461, %dma_wait3A_469] : memref<2x4x200xi32, #tpu.memory_space<vmem>> -> memref<1x1x200xi32, #tpu.memory_space<vmem>>
      %dma_wait3A_471 = tpu.memref_squeeze %dma_wait3A_470 : memref<1x1x200xi32, #tpu.memory_space<vmem>> -> memref<200xi32, #tpu.memory_space<vmem>>
      %dma_wait3A_472 = arith.constant 0 : i32
      %dma_wait3A_473 = arith.constant 0 : i32
      %dma_wait3A_474 = tpu.memref_slice %arg3[%dma_wait3A_472, %dma_wait3A_473] : memref<1000000x64xf32, #tpu.memory_space<hbm>> -> memref<1000000x64xf32, #tpu.memory_space<hbm>>
      %dma_wait3A_475 = tpu.memref_slice %arg8[%dma_wait3A_464] : memref<2x!tpu.dma_semaphore, #tpu.memory_space<semaphore_mem>> -> memref<1x!tpu.dma_semaphore, #tpu.memory_space<semaphore_mem>>
      %dma_wait3A_476 = tpu.memref_squeeze %dma_wait3A_475 : memref<1x!tpu.dma_semaphore, #tpu.memory_space<semaphore_mem>> -> memref<!tpu.dma_semaphore, #tpu.memory_space<semaphore_mem>>
      tpu.wait_indirect_dma semaphore(%dma_wait3A_476 : memref<!tpu.dma_semaphore, #tpu.memory_space<semaphore_mem>>) src(%dma_wait3A_474 : memref<1000000x64xf32, #tpu.memory_space<hbm>>) dst(%dma_wait3A_468 : memref<200x64xf32, #tpu.memory_space<vmem>>)
      %dma_wait3A_477 = arith.constant 0 : i32
      %dma_wait3A_478 = arith.constant 2 : i32
      %dma_wait3A_479 = arith.constant 0 : i32
      %dma_wait3A_480 = arith.constant 2 : i32
      %dma_wait3A_481 = arith.constant 0 : i32
      %dma_wait3A_482 = arith.constant 0 : i32
      %dma_wait3A_483 = arith.constant 0 : i32
      %dma_wait3A_484 = tpu.memref_slice %arg6[%dma_wait3A_479, %dma_wait3A_480, %dma_wait3A_482, %dma_wait3A_483] : memref<2x4x200x64xf32, #tpu.memory_space<vmem>> -> memref<1x1x200x64xf32, #tpu.memory_space<vmem>>
      %dma_wait3A_485 = tpu.memref_squeeze %dma_wait3A_484 : memref<1x1x200x64xf32, #tpu.memory_space<vmem>> -> memref<200x64xf32, #tpu.memory_space<vmem>>
      %dma_wait3A_486 = arith.constant 0 : i32
      %dma_wait3A_487 = tpu.memref_slice %arg5[%dma_wait3A_477, %dma_wait3A_478, %dma_wait3A_486] : memref<2x4x200xi32, #tpu.memory_space<vmem>> -> memref<1x1x200xi32, #tpu.memory_space<vmem>>
      %dma_wait3A_488 = tpu.memref_squeeze %dma_wait3A_487 : memref<1x1x200xi32, #tpu.memory_space<vmem>> -> memref<200xi32, #tpu.memory_space<vmem>>
      %dma_wait3A_489 = arith.constant 0 : i32
      %dma_wait3A_490 = arith.constant 0 : i32
      %dma_wait3A_491 = tpu.memref_slice %arg3[%dma_wait3A_489, %dma_wait3A_490] : memref<1000000x64xf32, #tpu.memory_space<hbm>> -> memref<1000000x64xf32, #tpu.memory_space<hbm>>
      %dma_wait3A_492 = tpu.memref_slice %arg8[%dma_wait3A_481] : memref<2x!tpu.dma_semaphore, #tpu.memory_space<semaphore_mem>> -> memref<1x!tpu.dma_semaphore, #tpu.memory_space<semaphore_mem>>
      %dma_wait3A_493 = tpu.memref_squeeze %dma_wait3A_492 : memref<1x!tpu.dma_semaphore, #tpu.memory_space<semaphore_mem>> -> memref<!tpu.dma_semaphore, #tpu.memory_space<semaphore_mem>>
      tpu.wait_indirect_dma semaphore(%dma_wait3A_493 : memref<!tpu.dma_semaphore, #tpu.memory_space<semaphore_mem>>) src(%dma_wait3A_491 : memref<1000000x64xf32, #tpu.memory_space<hbm>>) dst(%dma_wait3A_485 : memref<200x64xf32, #tpu.memory_space<vmem>>)
      %dma_wait3A_494 = arith.constant 0 : i32
      %dma_wait3A_495 = arith.constant 3 : i32
      %dma_wait3A_496 = arith.constant 0 : i32
      %dma_wait3A_497 = arith.constant 3 : i32
      %dma_wait3A_498 = arith.constant 0 : i32
      %dma_wait3A_499 = arith.constant 0 : i32
      %dma_wait3A_500 = arith.constant 0 : i32
      %dma_wait3A_501 = tpu.memref_slice %arg6[%dma_wait3A_496, %dma_wait3A_497, %dma_wait3A_499, %dma_wait3A_500] : memref<2x4x200x64xf32, #tpu.memory_space<vmem>> -> memref<1x1x200x64xf32, #tpu.memory_space<vmem>>
      %dma_wait3A_502 = tpu.memref_squeeze %dma_wait3A_501 : memref<1x1x200x64xf32, #tpu.memory_space<vmem>> -> memref<200x64xf32, #tpu.memory_space<vmem>>
      %dma_wait3A_503 = arith.constant 0 : i32
      %dma_wait3A_504 = tpu.memref_slice %arg5[%dma_wait3A_494, %dma_wait3A_495, %dma_wait3A_503] : memref<2x4x200xi32, #tpu.memory_space<vmem>> -> memref<1x1x200xi32, #tpu.memory_space<vmem>>
      %dma_wait3A_505 = tpu.memref_squeeze %dma_wait3A_504 : memref<1x1x200xi32, #tpu.memory_space<vmem>> -> memref<200xi32, #tpu.memory_space<vmem>>
      %dma_wait3A_506 = arith.constant 0 : i32
      %dma_wait3A_507 = arith.constant 0 : i32
      %dma_wait3A_508 = tpu.memref_slice %arg3[%dma_wait3A_506, %dma_wait3A_507] : memref<1000000x64xf32, #tpu.memory_space<hbm>> -> memref<1000000x64xf32, #tpu.memory_space<hbm>>
      %dma_wait3A_509 = tpu.memref_slice %arg8[%dma_wait3A_498] : memref<2x!tpu.dma_semaphore, #tpu.memory_space<semaphore_mem>> -> memref<1x!tpu.dma_semaphore, #tpu.memory_space<semaphore_mem>>
      %dma_wait3A_510 = tpu.memref_squeeze %dma_wait3A_509 : memref<1x!tpu.dma_semaphore, #tpu.memory_space<semaphore_mem>> -> memref<!tpu.dma_semaphore, #tpu.memory_space<semaphore_mem>>
      tpu.wait_indirect_dma semaphore(%dma_wait3A_510 : memref<!tpu.dma_semaphore, #tpu.memory_space<semaphore_mem>>) src(%dma_wait3A_508 : memref<1000000x64xf32, #tpu.memory_space<hbm>>) dst(%dma_wait3A_502 : memref<200x64xf32, #tpu.memory_space<vmem>>)
      %mul3A_511 = arith.constant 4 : i32
      %mul3A_512 = arith.muli %add3A_442, %mul3A_511 : i32
      %add3A_513 = arith.addi %mul3A_2, %mul3A_512 : i32
      %dma_start3A_514 = arith.constant 0 : i32
      %dma_start3A_515 = arith.constant 0 : i32
      %dma_start3A_516 = arith.constant 0 : i32
      %dma_start3A_517 = arith.constant 0 : i32
      %dma_start3A_518 = arith.constant 0 : i32
      %dma_start3A_519 = tpu.memref_slice %arg6[%dma_start3A_514, %dma_start3A_516, %dma_start3A_517, %dma_start3A_518] : memref<2x4x200x64xf32, #tpu.memory_space<vmem>> -> memref<1x4x200x64xf32, #tpu.memory_space<vmem>>
      %dma_start3A_520 = tpu.memref_squeeze %dma_start3A_519 : memref<1x4x200x64xf32, #tpu.memory_space<vmem>> -> memref<4x200x64xf32, #tpu.memory_space<vmem>>
      %dma_start3A_521 = arith.constant 0 : i32
      %dma_start3A_522 = arith.constant 0 : i32
      %dma_start3A_523 = tpu.memref_slice %arg4[%add3A_513, %dma_start3A_521, %dma_start3A_522] : memref<16384x200x64xf32, #tpu.memory_space<hbm>> -> memref<4x200x64xf32, #tpu.memory_space<hbm>>
      %dma_start3A_524 = tpu.memref_slice %arg9[%dma_start3A_515] : memref<2x!tpu.dma_semaphore, #tpu.memory_space<semaphore_mem>> -> memref<1x!tpu.dma_semaphore, #tpu.memory_space<semaphore_mem>>
      %dma_start3A_525 = tpu.memref_squeeze %dma_start3A_524 : memref<1x!tpu.dma_semaphore, #tpu.memory_space<semaphore_mem>> -> memref<!tpu.dma_semaphore, #tpu.memory_space<semaphore_mem>>
      %dma_start3A_526 = arith.constant 0 : i32
      %dma_start3A_527 = arith.constant 0 : i32
      %dma_start3A_528 = tpu.memref_slice %arg4[%add3A_513, %dma_start3A_526, %dma_start3A_527] : memref<16384x200x64xf32, #tpu.memory_space<hbm>> -> memref<4x200x64xf32, #tpu.memory_space<hbm>>
      %dma_start3A_529 = arith.constant 0 : i32
      %dma_start3A_530 = arith.constant 0 : i32
      %dma_start3A_531 = arith.constant 0 : i32
      %dma_start3A_532 = tpu.memref_slice %arg6[%dma_start3A_514, %dma_start3A_529, %dma_start3A_530, %dma_start3A_531] : memref<2x4x200x64xf32, #tpu.memory_space<vmem>> -> memref<1x4x200x64xf32, #tpu.memory_space<vmem>>
      %dma_start3A_533 = tpu.memref_squeeze %dma_start3A_532 : memref<1x4x200x64xf32, #tpu.memory_space<vmem>> -> memref<4x200x64xf32, #tpu.memory_space<vmem>>
      tpu.enqueue_dma source(%dma_start3A_533 : memref<4x200x64xf32, #tpu.memory_space<vmem>>) target(%dma_start3A_528 : memref<4x200x64xf32, #tpu.memory_space<hbm>>) target_semaphore(%dma_start3A_525 : memref<!tpu.dma_semaphore, #tpu.memory_space<semaphore_mem>>)
      %add3A_534 = arith.constant 2 : i32
      %add3A_535 = arith.addi %add3A_442, %add3A_534 : i32
      %mul3A_536 = arith.constant 4 : i32
      %mul3A_537 = arith.muli %add3A_535, %mul3A_536 : i32
      %add3A_538 = arith.addi %mul3A_2, %mul3A_537 : i32
      %dma_start3A_539 = arith.constant 0 : i32
      %dma_start3A_540 = arith.constant 0 : i32
      %dma_start3A_541 = arith.constant 0 : i32
      %dma_start3A_542 = arith.constant 0 : i32
      %dma_start3A_543 = tpu.memref_slice %arg5[%dma_start3A_539, %dma_start3A_541, %dma_start3A_542] : memref<2x4x200xi32, #tpu.memory_space<vmem>> -> memref<1x4x200xi32, #tpu.memory_space<vmem>>
      %dma_start3A_544 = tpu.memref_squeeze %dma_start3A_543 : memref<1x4x200xi32, #tpu.memory_space<vmem>> -> memref<4x200xi32, #tpu.memory_space<vmem>>
      %dma_start3A_545 = arith.constant 0 : i32
      %dma_start3A_546 = tpu.memref_slice %arg2[%add3A_538, %dma_start3A_545] : memref<16384x200xi32, #tpu.memory_space<hbm>> -> memref<4x200xi32, #tpu.memory_space<hbm>>
      %dma_start3A_547 = tpu.memref_slice %arg7[%dma_start3A_540] : memref<2x!tpu.dma_semaphore, #tpu.memory_space<semaphore_mem>> -> memref<1x!tpu.dma_semaphore, #tpu.memory_space<semaphore_mem>>
      %dma_start3A_548 = tpu.memref_squeeze %dma_start3A_547 : memref<1x!tpu.dma_semaphore, #tpu.memory_space<semaphore_mem>> -> memref<!tpu.dma_semaphore, #tpu.memory_space<semaphore_mem>>
      %dma_start3A_549 = arith.constant 0 : i32
      %dma_start3A_550 = arith.constant 0 : i32
      %dma_start3A_551 = tpu.memref_slice %arg5[%dma_start3A_539, %dma_start3A_549, %dma_start3A_550] : memref<2x4x200xi32, #tpu.memory_space<vmem>> -> memref<1x4x200xi32, #tpu.memory_space<vmem>>
      %dma_start3A_552 = tpu.memref_squeeze %dma_start3A_551 : memref<1x4x200xi32, #tpu.memory_space<vmem>> -> memref<4x200xi32, #tpu.memory_space<vmem>>
      %dma_start3A_553 = arith.constant 0 : i32
      %dma_start3A_554 = tpu.memref_slice %arg2[%add3A_538, %dma_start3A_553] : memref<16384x200xi32, #tpu.memory_space<hbm>> -> memref<4x200xi32, #tpu.memory_space<hbm>>
      tpu.enqueue_dma source(%dma_start3A_554 : memref<4x200xi32, #tpu.memory_space<hbm>>) target(%dma_start3A_552 : memref<4x200xi32, #tpu.memory_space<vmem>>) target_semaphore(%dma_start3A_548 : memref<!tpu.dma_semaphore, #tpu.memory_space<semaphore_mem>>)
      %mul3A_555 = arith.constant 4 : i32
      %mul3A_556 = arith.muli %add3A_442, %mul3A_555 : i32
      %add3A_557 = arith.addi %mul3A_2, %mul3A_556 : i32
      %dma_wait3A_558 = arith.constant 0 : i32
      %dma_wait3A_559 = arith.constant 0 : i32
      %dma_wait3A_560 = arith.constant 0 : i32
      %dma_wait3A_561 = arith.constant 0 : i32
      %dma_wait3A_562 = arith.constant 0 : i32
      %dma_wait3A_563 = tpu.memref_slice %arg6[%dma_wait3A_558, %dma_wait3A_560, %dma_wait3A_561, %dma_wait3A_562] : memref<2x4x200x64xf32, #tpu.memory_space<vmem>> -> memref<1x4x200x64xf32, #tpu.memory_space<vmem>>
      %dma_wait3A_564 = tpu.memref_squeeze %dma_wait3A_563 : memref<1x4x200x64xf32, #tpu.memory_space<vmem>> -> memref<4x200x64xf32, #tpu.memory_space<vmem>>
      %dma_wait3A_565 = arith.constant 0 : i32
      %dma_wait3A_566 = arith.constant 0 : i32
      %dma_wait3A_567 = tpu.memref_slice %arg4[%add3A_557, %dma_wait3A_565, %dma_wait3A_566] : memref<16384x200x64xf32, #tpu.memory_space<hbm>> -> memref<4x200x64xf32, #tpu.memory_space<hbm>>
      %dma_wait3A_568 = tpu.memref_slice %arg9[%dma_wait3A_559] : memref<2x!tpu.dma_semaphore, #tpu.memory_space<semaphore_mem>> -> memref<1x!tpu.dma_semaphore, #tpu.memory_space<semaphore_mem>>
      %dma_wait3A_569 = tpu.memref_squeeze %dma_wait3A_568 : memref<1x!tpu.dma_semaphore, #tpu.memory_space<semaphore_mem>> -> memref<!tpu.dma_semaphore, #tpu.memory_space<semaphore_mem>>
      %dma_wait3A_570 = arith.constant 0 : i32
      %dma_wait3A_571 = arith.constant 0 : i32
      %dma_wait3A_572 = tpu.memref_slice %arg4[%add3A_557, %dma_wait3A_570, %dma_wait3A_571] : memref<16384x200x64xf32, #tpu.memory_space<hbm>> -> memref<4x200x64xf32, #tpu.memory_space<hbm>>
      %dma_wait3A_573 = arith.constant 0 : i32
      %dma_wait3A_574 = arith.constant 0 : i32
      %dma_wait3A_575 = arith.constant 0 : i32
      %dma_wait3A_576 = tpu.memref_slice %arg6[%dma_wait3A_558, %dma_wait3A_573, %dma_wait3A_574, %dma_wait3A_575] : memref<2x4x200x64xf32, #tpu.memory_space<vmem>> -> memref<1x4x200x64xf32, #tpu.memory_space<vmem>>
      %dma_wait3A_577 = tpu.memref_squeeze %dma_wait3A_576 : memref<1x4x200x64xf32, #tpu.memory_space<vmem>> -> memref<4x200x64xf32, #tpu.memory_space<vmem>>
      tpu.wait_dma2 semaphore(%dma_wait3A_569 : memref<!tpu.dma_semaphore, #tpu.memory_space<semaphore_mem>>) src(%dma_wait3A_577 : memref<4x200x64xf32, #tpu.memory_space<vmem>>) dst(%dma_wait3A_572 : memref<4x200x64xf32, #tpu.memory_space<hbm>>)
      %add3A_578 = arith.constant 2 : i32
      %add3A_579 = arith.addi %add3A_442, %add3A_578 : i32
      %mul3A_580 = arith.constant 4 : i32
      %mul3A_581 = arith.muli %add3A_579, %mul3A_580 : i32
      %add3A_582 = arith.addi %mul3A_2, %mul3A_581 : i32
      %dma_wait3A_583 = arith.constant 0 : i32
      %dma_wait3A_584 = arith.constant 0 : i32
      %dma_wait3A_585 = arith.constant 0 : i32
      %dma_wait3A_586 = arith.constant 0 : i32
      %dma_wait3A_587 = tpu.memref_slice %arg5[%dma_wait3A_583, %dma_wait3A_585, %dma_wait3A_586] : memref<2x4x200xi32, #tpu.memory_space<vmem>> -> memref<1x4x200xi32, #tpu.memory_space<vmem>>
      %dma_wait3A_588 = tpu.memref_squeeze %dma_wait3A_587 : memref<1x4x200xi32, #tpu.memory_space<vmem>> -> memref<4x200xi32, #tpu.memory_space<vmem>>
      %dma_wait3A_589 = arith.constant 0 : i32
      %dma_wait3A_590 = tpu.memref_slice %arg2[%add3A_582, %dma_wait3A_589] : memref<16384x200xi32, #tpu.memory_space<hbm>> -> memref<4x200xi32, #tpu.memory_space<hbm>>
      %dma_wait3A_591 = tpu.memref_slice %arg7[%dma_wait3A_584] : memref<2x!tpu.dma_semaphore, #tpu.memory_space<semaphore_mem>> -> memref<1x!tpu.dma_semaphore, #tpu.memory_space<semaphore_mem>>
      %dma_wait3A_592 = tpu.memref_squeeze %dma_wait3A_591 : memref<1x!tpu.dma_semaphore, #tpu.memory_space<semaphore_mem>> -> memref<!tpu.dma_semaphore, #tpu.memory_space<semaphore_mem>>
      %dma_wait3A_593 = arith.constant 0 : i32
      %dma_wait3A_594 = arith.constant 0 : i32
      %dma_wait3A_595 = tpu.memref_slice %arg5[%dma_wait3A_583, %dma_wait3A_593, %dma_wait3A_594] : memref<2x4x200xi32, #tpu.memory_space<vmem>> -> memref<1x4x200xi32, #tpu.memory_space<vmem>>
      %dma_wait3A_596 = tpu.memref_squeeze %dma_wait3A_595 : memref<1x4x200xi32, #tpu.memory_space<vmem>> -> memref<4x200xi32, #tpu.memory_space<vmem>>
      %dma_wait3A_597 = arith.constant 0 : i32
      %dma_wait3A_598 = tpu.memref_slice %arg2[%add3A_582, %dma_wait3A_597] : memref<16384x200xi32, #tpu.memory_space<hbm>> -> memref<4x200xi32, #tpu.memory_space<hbm>>
      tpu.wait_dma2 semaphore(%dma_wait3A_592 : memref<!tpu.dma_semaphore, #tpu.memory_space<semaphore_mem>>) src(%dma_wait3A_598 : memref<4x200xi32, #tpu.memory_space<hbm>>) dst(%dma_wait3A_596 : memref<4x200xi32, #tpu.memory_space<vmem>>)
      %dma_start3A_599 = arith.constant 0 : i32
      %dma_start3A_600 = arith.constant 0 : i32
      %dma_start3A_601 = arith.constant 0 : i32
      %dma_start3A_602 = arith.constant 0 : i32
      %dma_start3A_603 = arith.constant 0 : i32
      %dma_start3A_604 = arith.constant 0 : i32
      %dma_start3A_605 = arith.constant 0 : i32
      %dma_start3A_606 = tpu.memref_slice %arg6[%dma_start3A_601, %dma_start3A_602, %dma_start3A_604, %dma_start3A_605] : memref<2x4x200x64xf32, #tpu.memory_space<vmem>> -> memref<1x1x200x64xf32, #tpu.memory_space<vmem>>
      %dma_start3A_607 = tpu.memref_squeeze %dma_start3A_606 : memref<1x1x200x64xf32, #tpu.memory_space<vmem>> -> memref<200x64xf32, #tpu.memory_space<vmem>>
      %dma_start3A_608 = arith.constant 0 : i32
      %dma_start3A_609 = tpu.memref_slice %arg5[%dma_start3A_599, %dma_start3A_600, %dma_start3A_608] : memref<2x4x200xi32, #tpu.memory_space<vmem>> -> memref<1x1x200xi32, #tpu.memory_space<vmem>>
      %dma_start3A_610 = tpu.memref_squeeze %dma_start3A_609 : memref<1x1x200xi32, #tpu.memory_space<vmem>> -> memref<200xi32, #tpu.memory_space<vmem>>
      %dma_start3A_611 = arith.constant 0 : i32
      %dma_start3A_612 = arith.constant 0 : i32
      %dma_start3A_613 = tpu.memref_slice %arg3[%dma_start3A_611, %dma_start3A_612] : memref<1000000x64xf32, #tpu.memory_space<hbm>> -> memref<1000000x64xf32, #tpu.memory_space<hbm>>
      %dma_start3A_614 = tpu.memref_slice %arg8[%dma_start3A_603] : memref<2x!tpu.dma_semaphore, #tpu.memory_space<semaphore_mem>> -> memref<1x!tpu.dma_semaphore, #tpu.memory_space<semaphore_mem>>
      %dma_start3A_615 = tpu.memref_squeeze %dma_start3A_614 : memref<1x!tpu.dma_semaphore, #tpu.memory_space<semaphore_mem>> -> memref<!tpu.dma_semaphore, #tpu.memory_space<semaphore_mem>>
      tpu.enqueue_indirect_dma source(%dma_start3A_613 : memref<1000000x64xf32, #tpu.memory_space<hbm>>) target(%dma_start3A_607 : memref<200x64xf32, #tpu.memory_space<vmem>>) offsets(%dma_start3A_610 : memref<200xi32, #tpu.memory_space<vmem>>) semaphore(%dma_start3A_615 : memref<!tpu.dma_semaphore, #tpu.memory_space<semaphore_mem>>)
      %dma_start3A_616 = arith.constant 0 : i32
      %dma_start3A_617 = arith.constant 1 : i32
      %dma_start3A_618 = arith.constant 0 : i32
      %dma_start3A_619 = arith.constant 1 : i32
      %dma_start3A_620 = arith.constant 0 : i32
      %dma_start3A_621 = arith.constant 0 : i32
      %dma_start3A_622 = arith.constant 0 : i32
      %dma_start3A_623 = tpu.memref_slice %arg6[%dma_start3A_618, %dma_start3A_619, %dma_start3A_621, %dma_start3A_622] : memref<2x4x200x64xf32, #tpu.memory_space<vmem>> -> memref<1x1x200x64xf32, #tpu.memory_space<vmem>>
      %dma_start3A_624 = tpu.memref_squeeze %dma_start3A_623 : memref<1x1x200x64xf32, #tpu.memory_space<vmem>> -> memref<200x64xf32, #tpu.memory_space<vmem>>
      %dma_start3A_625 = arith.constant 0 : i32
      %dma_start3A_626 = tpu.memref_slice %arg5[%dma_start3A_616, %dma_start3A_617, %dma_start3A_625] : memref<2x4x200xi32, #tpu.memory_space<vmem>> -> memref<1x1x200xi32, #tpu.memory_space<vmem>>
      %dma_start3A_627 = tpu.memref_squeeze %dma_start3A_626 : memref<1x1x200xi32, #tpu.memory_space<vmem>> -> memref<200xi32, #tpu.memory_space<vmem>>
      %dma_start3A_628 = arith.constant 0 : i32
      %dma_start3A_629 = arith.constant 0 : i32
      %dma_start3A_630 = tpu.memref_slice %arg3[%dma_start3A_628, %dma_start3A_629] : memref<1000000x64xf32, #tpu.memory_space<hbm>> -> memref<1000000x64xf32, #tpu.memory_space<hbm>>
      %dma_start3A_631 = tpu.memref_slice %arg8[%dma_start3A_620] : memref<2x!tpu.dma_semaphore, #tpu.memory_space<semaphore_mem>> -> memref<1x!tpu.dma_semaphore, #tpu.memory_space<semaphore_mem>>
      %dma_start3A_632 = tpu.memref_squeeze %dma_start3A_631 : memref<1x!tpu.dma_semaphore, #tpu.memory_space<semaphore_mem>> -> memref<!tpu.dma_semaphore, #tpu.memory_space<semaphore_mem>>
      tpu.enqueue_indirect_dma source(%dma_start3A_630 : memref<1000000x64xf32, #tpu.memory_space<hbm>>) target(%dma_start3A_624 : memref<200x64xf32, #tpu.memory_space<vmem>>) offsets(%dma_start3A_627 : memref<200xi32, #tpu.memory_space<vmem>>) semaphore(%dma_start3A_632 : memref<!tpu.dma_semaphore, #tpu.memory_space<semaphore_mem>>)
      %dma_start3A_633 = arith.constant 0 : i32
      %dma_start3A_634 = arith.constant 2 : i32
      %dma_start3A_635 = arith.constant 0 : i32
      %dma_start3A_636 = arith.constant 2 : i32
      %dma_start3A_637 = arith.constant 0 : i32
      %dma_start3A_638 = arith.constant 0 : i32
      %dma_start3A_639 = arith.constant 0 : i32
      %dma_start3A_640 = tpu.memref_slice %arg6[%dma_start3A_635, %dma_start3A_636, %dma_start3A_638, %dma_start3A_639] : memref<2x4x200x64xf32, #tpu.memory_space<vmem>> -> memref<1x1x200x64xf32, #tpu.memory_space<vmem>>
      %dma_start3A_641 = tpu.memref_squeeze %dma_start3A_640 : memref<1x1x200x64xf32, #tpu.memory_space<vmem>> -> memref<200x64xf32, #tpu.memory_space<vmem>>
      %dma_start3A_642 = arith.constant 0 : i32
      %dma_start3A_643 = tpu.memref_slice %arg5[%dma_start3A_633, %dma_start3A_634, %dma_start3A_642] : memref<2x4x200xi32, #tpu.memory_space<vmem>> -> memref<1x1x200xi32, #tpu.memory_space<vmem>>
      %dma_start3A_644 = tpu.memref_squeeze %dma_start3A_643 : memref<1x1x200xi32, #tpu.memory_space<vmem>> -> memref<200xi32, #tpu.memory_space<vmem>>
      %dma_start3A_645 = arith.constant 0 : i32
      %dma_start3A_646 = arith.constant 0 : i32
      %dma_start3A_647 = tpu.memref_slice %arg3[%dma_start3A_645, %dma_start3A_646] : memref<1000000x64xf32, #tpu.memory_space<hbm>> -> memref<1000000x64xf32, #tpu.memory_space<hbm>>
      %dma_start3A_648 = tpu.memref_slice %arg8[%dma_start3A_637] : memref<2x!tpu.dma_semaphore, #tpu.memory_space<semaphore_mem>> -> memref<1x!tpu.dma_semaphore, #tpu.memory_space<semaphore_mem>>
      %dma_start3A_649 = tpu.memref_squeeze %dma_start3A_648 : memref<1x!tpu.dma_semaphore, #tpu.memory_space<semaphore_mem>> -> memref<!tpu.dma_semaphore, #tpu.memory_space<semaphore_mem>>
      tpu.enqueue_indirect_dma source(%dma_start3A_647 : memref<1000000x64xf32, #tpu.memory_space<hbm>>) target(%dma_start3A_641 : memref<200x64xf32, #tpu.memory_space<vmem>>) offsets(%dma_start3A_644 : memref<200xi32, #tpu.memory_space<vmem>>) semaphore(%dma_start3A_649 : memref<!tpu.dma_semaphore, #tpu.memory_space<semaphore_mem>>)
      %dma_start3A_650 = arith.constant 0 : i32
      %dma_start3A_651 = arith.constant 3 : i32
      %dma_start3A_652 = arith.constant 0 : i32
      %dma_start3A_653 = arith.constant 3 : i32
      %dma_start3A_654 = arith.constant 0 : i32
      %dma_start3A_655 = arith.constant 0 : i32
      %dma_start3A_656 = arith.constant 0 : i32
      %dma_start3A_657 = tpu.memref_slice %arg6[%dma_start3A_652, %dma_start3A_653, %dma_start3A_655, %dma_start3A_656] : memref<2x4x200x64xf32, #tpu.memory_space<vmem>> -> memref<1x1x200x64xf32, #tpu.memory_space<vmem>>
      %dma_start3A_658 = tpu.memref_squeeze %dma_start3A_657 : memref<1x1x200x64xf32, #tpu.memory_space<vmem>> -> memref<200x64xf32, #tpu.memory_space<vmem>>
      %dma_start3A_659 = arith.constant 0 : i32
      %dma_start3A_660 = tpu.memref_slice %arg5[%dma_start3A_650, %dma_start3A_651, %dma_start3A_659] : memref<2x4x200xi32, #tpu.memory_space<vmem>> -> memref<1x1x200xi32, #tpu.memory_space<vmem>>
      %dma_start3A_661 = tpu.memref_squeeze %dma_start3A_660 : memref<1x1x200xi32, #tpu.memory_space<vmem>> -> memref<200xi32, #tpu.memory_space<vmem>>
      %dma_start3A_662 = arith.constant 0 : i32
      %dma_start3A_663 = arith.constant 0 : i32
      %dma_start3A_664 = tpu.memref_slice %arg3[%dma_start3A_662, %dma_start3A_663] : memref<1000000x64xf32, #tpu.memory_space<hbm>> -> memref<1000000x64xf32, #tpu.memory_space<hbm>>
      %dma_start3A_665 = tpu.memref_slice %arg8[%dma_start3A_654] : memref<2x!tpu.dma_semaphore, #tpu.memory_space<semaphore_mem>> -> memref<1x!tpu.dma_semaphore, #tpu.memory_space<semaphore_mem>>
      %dma_start3A_666 = tpu.memref_squeeze %dma_start3A_665 : memref<1x!tpu.dma_semaphore, #tpu.memory_space<semaphore_mem>> -> memref<!tpu.dma_semaphore, #tpu.memory_space<semaphore_mem>>
      tpu.enqueue_indirect_dma source(%dma_start3A_664 : memref<1000000x64xf32, #tpu.memory_space<hbm>>) target(%dma_start3A_658 : memref<200x64xf32, #tpu.memory_space<vmem>>) offsets(%dma_start3A_661 : memref<200xi32, #tpu.memory_space<vmem>>) semaphore(%dma_start3A_666 : memref<!tpu.dma_semaphore, #tpu.memory_space<semaphore_mem>>)
      %mul3A_667 = arith.constant 2 : i32
      %mul3A_668 = arith.muli %scan3A_438, %mul3A_667 : i32
      %add3A_669 = arith.constant 1 : i32
      %add3A_670 = arith.addi %mul3A_668, %add3A_669 : i32
      %dma_wait3A_671 = arith.constant 1 : i32
      %dma_wait3A_672 = arith.constant 0 : i32
      %dma_wait3A_673 = arith.constant 1 : i32
      %dma_wait3A_674 = arith.constant 0 : i32
      %dma_wait3A_675 = arith.constant 1 : i32
      %dma_wait3A_676 = arith.constant 0 : i32
      %dma_wait3A_677 = arith.constant 0 : i32
      %dma_wait3A_678 = tpu.memref_slice %arg6[%dma_wait3A_673, %dma_wait3A_674, %dma_wait3A_676, %dma_wait3A_677] : memref<2x4x200x64xf32, #tpu.memory_space<vmem>> -> memref<1x1x200x64xf32, #tpu.memory_space<vmem>>
      %dma_wait3A_679 = tpu.memref_squeeze %dma_wait3A_678 : memref<1x1x200x64xf32, #tpu.memory_space<vmem>> -> memref<200x64xf32, #tpu.memory_space<vmem>>
      %dma_wait3A_680 = arith.constant 0 : i32
      %dma_wait3A_681 = tpu.memref_slice %arg5[%dma_wait3A_671, %dma_wait3A_672, %dma_wait3A_680] : memref<2x4x200xi32, #tpu.memory_space<vmem>> -> memref<1x1x200xi32, #tpu.memory_space<vmem>>
      %dma_wait3A_682 = tpu.memref_squeeze %dma_wait3A_681 : memref<1x1x200xi32, #tpu.memory_space<vmem>> -> memref<200xi32, #tpu.memory_space<vmem>>
      %dma_wait3A_683 = arith.constant 0 : i32
      %dma_wait3A_684 = arith.constant 0 : i32
      %dma_wait3A_685 = tpu.memref_slice %arg3[%dma_wait3A_683, %dma_wait3A_684] : memref<1000000x64xf32, #tpu.memory_space<hbm>> -> memref<1000000x64xf32, #tpu.memory_space<hbm>>
      %dma_wait3A_686 = tpu.memref_slice %arg8[%dma_wait3A_675] : memref<2x!tpu.dma_semaphore, #tpu.memory_space<semaphore_mem>> -> memref<1x!tpu.dma_semaphore, #tpu.memory_space<semaphore_mem>>
      %dma_wait3A_687 = tpu.memref_squeeze %dma_wait3A_686 : memref<1x!tpu.dma_semaphore, #tpu.memory_space<semaphore_mem>> -> memref<!tpu.dma_semaphore, #tpu.memory_space<semaphore_mem>>
      tpu.wait_indirect_dma semaphore(%dma_wait3A_687 : memref<!tpu.dma_semaphore, #tpu.memory_space<semaphore_mem>>) src(%dma_wait3A_685 : memref<1000000x64xf32, #tpu.memory_space<hbm>>) dst(%dma_wait3A_679 : memref<200x64xf32, #tpu.memory_space<vmem>>)
      %dma_wait3A_688 = arith.constant 1 : i32
      %dma_wait3A_689 = arith.constant 1 : i32
      %dma_wait3A_690 = arith.constant 1 : i32
      %dma_wait3A_691 = arith.constant 1 : i32
      %dma_wait3A_692 = arith.constant 1 : i32
      %dma_wait3A_693 = arith.constant 0 : i32
      %dma_wait3A_694 = arith.constant 0 : i32
      %dma_wait3A_695 = tpu.memref_slice %arg6[%dma_wait3A_690, %dma_wait3A_691, %dma_wait3A_693, %dma_wait3A_694] : memref<2x4x200x64xf32, #tpu.memory_space<vmem>> -> memref<1x1x200x64xf32, #tpu.memory_space<vmem>>
      %dma_wait3A_696 = tpu.memref_squeeze %dma_wait3A_695 : memref<1x1x200x64xf32, #tpu.memory_space<vmem>> -> memref<200x64xf32, #tpu.memory_space<vmem>>
      %dma_wait3A_697 = arith.constant 0 : i32
      %dma_wait3A_698 = tpu.memref_slice %arg5[%dma_wait3A_688, %dma_wait3A_689, %dma_wait3A_697] : memref<2x4x200xi32, #tpu.memory_space<vmem>> -> memref<1x1x200xi32, #tpu.memory_space<vmem>>
      %dma_wait3A_699 = tpu.memref_squeeze %dma_wait3A_698 : memref<1x1x200xi32, #tpu.memory_space<vmem>> -> memref<200xi32, #tpu.memory_space<vmem>>
      %dma_wait3A_700 = arith.constant 0 : i32
      %dma_wait3A_701 = arith.constant 0 : i32
      %dma_wait3A_702 = tpu.memref_slice %arg3[%dma_wait3A_700, %dma_wait3A_701] : memref<1000000x64xf32, #tpu.memory_space<hbm>> -> memref<1000000x64xf32, #tpu.memory_space<hbm>>
      %dma_wait3A_703 = tpu.memref_slice %arg8[%dma_wait3A_692] : memref<2x!tpu.dma_semaphore, #tpu.memory_space<semaphore_mem>> -> memref<1x!tpu.dma_semaphore, #tpu.memory_space<semaphore_mem>>
      %dma_wait3A_704 = tpu.memref_squeeze %dma_wait3A_703 : memref<1x!tpu.dma_semaphore, #tpu.memory_space<semaphore_mem>> -> memref<!tpu.dma_semaphore, #tpu.memory_space<semaphore_mem>>
      tpu.wait_indirect_dma semaphore(%dma_wait3A_704 : memref<!tpu.dma_semaphore, #tpu.memory_space<semaphore_mem>>) src(%dma_wait3A_702 : memref<1000000x64xf32, #tpu.memory_space<hbm>>) dst(%dma_wait3A_696 : memref<200x64xf32, #tpu.memory_space<vmem>>)
      %dma_wait3A_705 = arith.constant 1 : i32
      %dma_wait3A_706 = arith.constant 2 : i32
      %dma_wait3A_707 = arith.constant 1 : i32
      %dma_wait3A_708 = arith.constant 2 : i32
      %dma_wait3A_709 = arith.constant 1 : i32
      %dma_wait3A_710 = arith.constant 0 : i32
      %dma_wait3A_711 = arith.constant 0 : i32
      %dma_wait3A_712 = tpu.memref_slice %arg6[%dma_wait3A_707, %dma_wait3A_708, %dma_wait3A_710, %dma_wait3A_711] : memref<2x4x200x64xf32, #tpu.memory_space<vmem>> -> memref<1x1x200x64xf32, #tpu.memory_space<vmem>>
      %dma_wait3A_713 = tpu.memref_squeeze %dma_wait3A_712 : memref<1x1x200x64xf32, #tpu.memory_space<vmem>> -> memref<200x64xf32, #tpu.memory_space<vmem>>
      %dma_wait3A_714 = arith.constant 0 : i32
      %dma_wait3A_715 = tpu.memref_slice %arg5[%dma_wait3A_705, %dma_wait3A_706, %dma_wait3A_714] : memref<2x4x200xi32, #tpu.memory_space<vmem>> -> memref<1x1x200xi32, #tpu.memory_space<vmem>>
      %dma_wait3A_716 = tpu.memref_squeeze %dma_wait3A_715 : memref<1x1x200xi32, #tpu.memory_space<vmem>> -> memref<200xi32, #tpu.memory_space<vmem>>
      %dma_wait3A_717 = arith.constant 0 : i32
      %dma_wait3A_718 = arith.constant 0 : i32
      %dma_wait3A_719 = tpu.memref_slice %arg3[%dma_wait3A_717, %dma_wait3A_718] : memref<1000000x64xf32, #tpu.memory_space<hbm>> -> memref<1000000x64xf32, #tpu.memory_space<hbm>>
      %dma_wait3A_720 = tpu.memref_slice %arg8[%dma_wait3A_709] : memref<2x!tpu.dma_semaphore, #tpu.memory_space<semaphore_mem>> -> memref<1x!tpu.dma_semaphore, #tpu.memory_space<semaphore_mem>>
      %dma_wait3A_721 = tpu.memref_squeeze %dma_wait3A_720 : memref<1x!tpu.dma_semaphore, #tpu.memory_space<semaphore_mem>> -> memref<!tpu.dma_semaphore, #tpu.memory_space<semaphore_mem>>
      tpu.wait_indirect_dma semaphore(%dma_wait3A_721 : memref<!tpu.dma_semaphore, #tpu.memory_space<semaphore_mem>>) src(%dma_wait3A_719 : memref<1000000x64xf32, #tpu.memory_space<hbm>>) dst(%dma_wait3A_713 : memref<200x64xf32, #tpu.memory_space<vmem>>)
      %dma_wait3A_722 = arith.constant 1 : i32
      %dma_wait3A_723 = arith.constant 3 : i32
      %dma_wait3A_724 = arith.constant 1 : i32
      %dma_wait3A_725 = arith.constant 3 : i32
      %dma_wait3A_726 = arith.constant 1 : i32
      %dma_wait3A_727 = arith.constant 0 : i32
      %dma_wait3A_728 = arith.constant 0 : i32
      %dma_wait3A_729 = tpu.memref_slice %arg6[%dma_wait3A_724, %dma_wait3A_725, %dma_wait3A_727, %dma_wait3A_728] : memref<2x4x200x64xf32, #tpu.memory_space<vmem>> -> memref<1x1x200x64xf32, #tpu.memory_space<vmem>>
      %dma_wait3A_730 = tpu.memref_squeeze %dma_wait3A_729 : memref<1x1x200x64xf32, #tpu.memory_space<vmem>> -> memref<200x64xf32, #tpu.memory_space<vmem>>
      %dma_wait3A_731 = arith.constant 0 : i32
      %dma_wait3A_732 = tpu.memref_slice %arg5[%dma_wait3A_722, %dma_wait3A_723, %dma_wait3A_731] : memref<2x4x200xi32, #tpu.memory_space<vmem>> -> memref<1x1x200xi32, #tpu.memory_space<vmem>>
      %dma_wait3A_733 = tpu.memref_squeeze %dma_wait3A_732 : memref<1x1x200xi32, #tpu.memory_space<vmem>> -> memref<200xi32, #tpu.memory_space<vmem>>
      %dma_wait3A_734 = arith.constant 0 : i32
      %dma_wait3A_735 = arith.constant 0 : i32
      %dma_wait3A_736 = tpu.memref_slice %arg3[%dma_wait3A_734, %dma_wait3A_735] : memref<1000000x64xf32, #tpu.memory_space<hbm>> -> memref<1000000x64xf32, #tpu.memory_space<hbm>>
      %dma_wait3A_737 = tpu.memref_slice %arg8[%dma_wait3A_726] : memref<2x!tpu.dma_semaphore, #tpu.memory_space<semaphore_mem>> -> memref<1x!tpu.dma_semaphore, #tpu.memory_space<semaphore_mem>>
      %dma_wait3A_738 = tpu.memref_squeeze %dma_wait3A_737 : memref<1x!tpu.dma_semaphore, #tpu.memory_space<semaphore_mem>> -> memref<!tpu.dma_semaphore, #tpu.memory_space<semaphore_mem>>
      tpu.wait_indirect_dma semaphore(%dma_wait3A_738 : memref<!tpu.dma_semaphore, #tpu.memory_space<semaphore_mem>>) src(%dma_wait3A_736 : memref<1000000x64xf32, #tpu.memory_space<hbm>>) dst(%dma_wait3A_730 : memref<200x64xf32, #tpu.memory_space<vmem>>)
      %mul3A_739 = arith.constant 4 : i32
      %mul3A_740 = arith.muli %add3A_670, %mul3A_739 : i32
      %add3A_741 = arith.addi %mul3A_2, %mul3A_740 : i32
      %dma_start3A_742 = arith.constant 1 : i32
      %dma_start3A_743 = arith.constant 1 : i32
      %dma_start3A_744 = arith.constant 0 : i32
      %dma_start3A_745 = arith.constant 0 : i32
      %dma_start3A_746 = arith.constant 0 : i32
      %dma_start3A_747 = tpu.memref_slice %arg6[%dma_start3A_742, %dma_start3A_744, %dma_start3A_745, %dma_start3A_746] : memref<2x4x200x64xf32, #tpu.memory_space<vmem>> -> memref<1x4x200x64xf32, #tpu.memory_space<vmem>>
      %dma_start3A_748 = tpu.memref_squeeze %dma_start3A_747 : memref<1x4x200x64xf32, #tpu.memory_space<vmem>> -> memref<4x200x64xf32, #tpu.memory_space<vmem>>
      %dma_start3A_749 = arith.constant 0 : i32
      %dma_start3A_750 = arith.constant 0 : i32
      %dma_start3A_751 = tpu.memref_slice %arg4[%add3A_741, %dma_start3A_749, %dma_start3A_750] : memref<16384x200x64xf32, #tpu.memory_space<hbm>> -> memref<4x200x64xf32, #tpu.memory_space<hbm>>
      %dma_start3A_752 = tpu.memref_slice %arg9[%dma_start3A_743] : memref<2x!tpu.dma_semaphore, #tpu.memory_space<semaphore_mem>> -> memref<1x!tpu.dma_semaphore, #tpu.memory_space<semaphore_mem>>
      %dma_start3A_753 = tpu.memref_squeeze %dma_start3A_752 : memref<1x!tpu.dma_semaphore, #tpu.memory_space<semaphore_mem>> -> memref<!tpu.dma_semaphore, #tpu.memory_space<semaphore_mem>>
      %dma_start3A_754 = arith.constant 0 : i32
      %dma_start3A_755 = arith.constant 0 : i32
      %dma_start3A_756 = tpu.memref_slice %arg4[%add3A_741, %dma_start3A_754, %dma_start3A_755] : memref<16384x200x64xf32, #tpu.memory_space<hbm>> -> memref<4x200x64xf32, #tpu.memory_space<hbm>>
      %dma_start3A_757 = arith.constant 0 : i32
      %dma_start3A_758 = arith.constant 0 : i32
      %dma_start3A_759 = arith.constant 0 : i32
      %dma_start3A_760 = tpu.memref_slice %arg6[%dma_start3A_742, %dma_start3A_757, %dma_start3A_758, %dma_start3A_759] : memref<2x4x200x64xf32, #tpu.memory_space<vmem>> -> memref<1x4x200x64xf32, #tpu.memory_space<vmem>>
      %dma_start3A_761 = tpu.memref_squeeze %dma_start3A_760 : memref<1x4x200x64xf32, #tpu.memory_space<vmem>> -> memref<4x200x64xf32, #tpu.memory_space<vmem>>
      tpu.enqueue_dma source(%dma_start3A_761 : memref<4x200x64xf32, #tpu.memory_space<vmem>>) target(%dma_start3A_756 : memref<4x200x64xf32, #tpu.memory_space<hbm>>) target_semaphore(%dma_start3A_753 : memref<!tpu.dma_semaphore, #tpu.memory_space<semaphore_mem>>)
      %add3A_762 = arith.constant 2 : i32
      %add3A_763 = arith.addi %add3A_670, %add3A_762 : i32
      %mul3A_764 = arith.constant 4 : i32
      %mul3A_765 = arith.muli %add3A_763, %mul3A_764 : i32
      %add3A_766 = arith.addi %mul3A_2, %mul3A_765 : i32
      %dma_start3A_767 = arith.constant 1 : i32
      %dma_start3A_768 = arith.constant 1 : i32
      %dma_start3A_769 = arith.constant 0 : i32
      %dma_start3A_770 = arith.constant 0 : i32
      %dma_start3A_771 = tpu.memref_slice %arg5[%dma_start3A_767, %dma_start3A_769, %dma_start3A_770] : memref<2x4x200xi32, #tpu.memory_space<vmem>> -> memref<1x4x200xi32, #tpu.memory_space<vmem>>
      %dma_start3A_772 = tpu.memref_squeeze %dma_start3A_771 : memref<1x4x200xi32, #tpu.memory_space<vmem>> -> memref<4x200xi32, #tpu.memory_space<vmem>>
      %dma_start3A_773 = arith.constant 0 : i32
      %dma_start3A_774 = tpu.memref_slice %arg2[%add3A_766, %dma_start3A_773] : memref<16384x200xi32, #tpu.memory_space<hbm>> -> memref<4x200xi32, #tpu.memory_space<hbm>>
      %dma_start3A_775 = tpu.memref_slice %arg7[%dma_start3A_768] : memref<2x!tpu.dma_semaphore, #tpu.memory_space<semaphore_mem>> -> memref<1x!tpu.dma_semaphore, #tpu.memory_space<semaphore_mem>>
      %dma_start3A_776 = tpu.memref_squeeze %dma_start3A_775 : memref<1x!tpu.dma_semaphore, #tpu.memory_space<semaphore_mem>> -> memref<!tpu.dma_semaphore, #tpu.memory_space<semaphore_mem>>
      %dma_start3A_777 = arith.constant 0 : i32
      %dma_start3A_778 = arith.constant 0 : i32
      %dma_start3A_779 = tpu.memref_slice %arg5[%dma_start3A_767, %dma_start3A_777, %dma_start3A_778] : memref<2x4x200xi32, #tpu.memory_space<vmem>> -> memref<1x4x200xi32, #tpu.memory_space<vmem>>
      %dma_start3A_780 = tpu.memref_squeeze %dma_start3A_779 : memref<1x4x200xi32, #tpu.memory_space<vmem>> -> memref<4x200xi32, #tpu.memory_space<vmem>>
      %dma_start3A_781 = arith.constant 0 : i32
      %dma_start3A_782 = tpu.memref_slice %arg2[%add3A_766, %dma_start3A_781] : memref<16384x200xi32, #tpu.memory_space<hbm>> -> memref<4x200xi32, #tpu.memory_space<hbm>>
      tpu.enqueue_dma source(%dma_start3A_782 : memref<4x200xi32, #tpu.memory_space<hbm>>) target(%dma_start3A_780 : memref<4x200xi32, #tpu.memory_space<vmem>>) target_semaphore(%dma_start3A_776 : memref<!tpu.dma_semaphore, #tpu.memory_space<semaphore_mem>>)
      %mul3A_783 = arith.constant 4 : i32
      %mul3A_784 = arith.muli %add3A_670, %mul3A_783 : i32
      %add3A_785 = arith.addi %mul3A_2, %mul3A_784 : i32
      %dma_wait3A_786 = arith.constant 1 : i32
      %dma_wait3A_787 = arith.constant 1 : i32
      %dma_wait3A_788 = arith.constant 0 : i32
      %dma_wait3A_789 = arith.constant 0 : i32
      %dma_wait3A_790 = arith.constant 0 : i32
      %dma_wait3A_791 = tpu.memref_slice %arg6[%dma_wait3A_786, %dma_wait3A_788, %dma_wait3A_789, %dma_wait3A_790] : memref<2x4x200x64xf32, #tpu.memory_space<vmem>> -> memref<1x4x200x64xf32, #tpu.memory_space<vmem>>
      %dma_wait3A_792 = tpu.memref_squeeze %dma_wait3A_791 : memref<1x4x200x64xf32, #tpu.memory_space<vmem>> -> memref<4x200x64xf32, #tpu.memory_space<vmem>>
      %dma_wait3A_793 = arith.constant 0 : i32
      %dma_wait3A_794 = arith.constant 0 : i32
      %dma_wait3A_795 = tpu.memref_slice %arg4[%add3A_785, %dma_wait3A_793, %dma_wait3A_794] : memref<16384x200x64xf32, #tpu.memory_space<hbm>> -> memref<4x200x64xf32, #tpu.memory_space<hbm>>
      %dma_wait3A_796 = tpu.memref_slice %arg9[%dma_wait3A_787] : memref<2x!tpu.dma_semaphore, #tpu.memory_space<semaphore_mem>> -> memref<1x!tpu.dma_semaphore, #tpu.memory_space<semaphore_mem>>
      %dma_wait3A_797 = tpu.memref_squeeze %dma_wait3A_796 : memref<1x!tpu.dma_semaphore, #tpu.memory_space<semaphore_mem>> -> memref<!tpu.dma_semaphore, #tpu.memory_space<semaphore_mem>>
      %dma_wait3A_798 = arith.constant 0 : i32
      %dma_wait3A_799 = arith.constant 0 : i32
      %dma_wait3A_800 = tpu.memref_slice %arg4[%add3A_785, %dma_wait3A_798, %dma_wait3A_799] : memref<16384x200x64xf32, #tpu.memory_space<hbm>> -> memref<4x200x64xf32, #tpu.memory_space<hbm>>
      %dma_wait3A_801 = arith.constant 0 : i32
      %dma_wait3A_802 = arith.constant 0 : i32
      %dma_wait3A_803 = arith.constant 0 : i32
      %dma_wait3A_804 = tpu.memref_slice %arg6[%dma_wait3A_786, %dma_wait3A_801, %dma_wait3A_802, %dma_wait3A_803] : memref<2x4x200x64xf32, #tpu.memory_space<vmem>> -> memref<1x4x200x64xf32, #tpu.memory_space<vmem>>
      %dma_wait3A_805 = tpu.memref_squeeze %dma_wait3A_804 : memref<1x4x200x64xf32, #tpu.memory_space<vmem>> -> memref<4x200x64xf32, #tpu.memory_space<vmem>>
      tpu.wait_dma2 semaphore(%dma_wait3A_797 : memref<!tpu.dma_semaphore, #tpu.memory_space<semaphore_mem>>) src(%dma_wait3A_805 : memref<4x200x64xf32, #tpu.memory_space<vmem>>) dst(%dma_wait3A_800 : memref<4x200x64xf32, #tpu.memory_space<hbm>>)
      %add3A_806 = arith.constant 2 : i32
      %add3A_807 = arith.addi %add3A_670, %add3A_806 : i32
      %mul3A_808 = arith.constant 4 : i32
      %mul3A_809 = arith.muli %add3A_807, %mul3A_808 : i32
      %add3A_810 = arith.addi %mul3A_2, %mul3A_809 : i32
      %dma_wait3A_811 = arith.constant 1 : i32
      %dma_wait3A_812 = arith.constant 1 : i32
      %dma_wait3A_813 = arith.constant 0 : i32
      %dma_wait3A_814 = arith.constant 0 : i32
      %dma_wait3A_815 = tpu.memref_slice %arg5[%dma_wait3A_811, %dma_wait3A_813, %dma_wait3A_814] : memref<2x4x200xi32, #tpu.memory_space<vmem>> -> memref<1x4x200xi32, #tpu.memory_space<vmem>>
      %dma_wait3A_816 = tpu.memref_squeeze %dma_wait3A_815 : memref<1x4x200xi32, #tpu.memory_space<vmem>> -> memref<4x200xi32, #tpu.memory_space<vmem>>
      %dma_wait3A_817 = arith.constant 0 : i32
      %dma_wait3A_818 = tpu.memref_slice %arg2[%add3A_810, %dma_wait3A_817] : memref<16384x200xi32, #tpu.memory_space<hbm>> -> memref<4x200xi32, #tpu.memory_space<hbm>>
      %dma_wait3A_819 = tpu.memref_slice %arg7[%dma_wait3A_812] : memref<2x!tpu.dma_semaphore, #tpu.memory_space<semaphore_mem>> -> memref<1x!tpu.dma_semaphore, #tpu.memory_space<semaphore_mem>>
      %dma_wait3A_820 = tpu.memref_squeeze %dma_wait3A_819 : memref<1x!tpu.dma_semaphore, #tpu.memory_space<semaphore_mem>> -> memref<!tpu.dma_semaphore, #tpu.memory_space<semaphore_mem>>
      %dma_wait3A_821 = arith.constant 0 : i32
      %dma_wait3A_822 = arith.constant 0 : i32
      %dma_wait3A_823 = tpu.memref_slice %arg5[%dma_wait3A_811, %dma_wait3A_821, %dma_wait3A_822] : memref<2x4x200xi32, #tpu.memory_space<vmem>> -> memref<1x4x200xi32, #tpu.memory_space<vmem>>
      %dma_wait3A_824 = tpu.memref_squeeze %dma_wait3A_823 : memref<1x4x200xi32, #tpu.memory_space<vmem>> -> memref<4x200xi32, #tpu.memory_space<vmem>>
      %dma_wait3A_825 = arith.constant 0 : i32
      %dma_wait3A_826 = tpu.memref_slice %arg2[%add3A_810, %dma_wait3A_825] : memref<16384x200xi32, #tpu.memory_space<hbm>> -> memref<4x200xi32, #tpu.memory_space<hbm>>
      tpu.wait_dma2 semaphore(%dma_wait3A_820 : memref<!tpu.dma_semaphore, #tpu.memory_space<semaphore_mem>>) src(%dma_wait3A_826 : memref<4x200xi32, #tpu.memory_space<hbm>>) dst(%dma_wait3A_824 : memref<4x200xi32, #tpu.memory_space<vmem>>)
      %dma_start3A_827 = arith.constant 1 : i32
      %dma_start3A_828 = arith.constant 0 : i32
      %dma_start3A_829 = arith.constant 1 : i32
      %dma_start3A_830 = arith.constant 0 : i32
      %dma_start3A_831 = arith.constant 1 : i32
      %dma_start3A_832 = arith.constant 0 : i32
      %dma_start3A_833 = arith.constant 0 : i32
      %dma_start3A_834 = tpu.memref_slice %arg6[%dma_start3A_829, %dma_start3A_830, %dma_start3A_832, %dma_start3A_833] : memref<2x4x200x64xf32, #tpu.memory_space<vmem>> -> memref<1x1x200x64xf32, #tpu.memory_space<vmem>>
      %dma_start3A_835 = tpu.memref_squeeze %dma_start3A_834 : memref<1x1x200x64xf32, #tpu.memory_space<vmem>> -> memref<200x64xf32, #tpu.memory_space<vmem>>
      %dma_start3A_836 = arith.constant 0 : i32
      %dma_start3A_837 = tpu.memref_slice %arg5[%dma_start3A_827, %dma_start3A_828, %dma_start3A_836] : memref<2x4x200xi32, #tpu.memory_space<vmem>> -> memref<1x1x200xi32, #tpu.memory_space<vmem>>
      %dma_start3A_838 = tpu.memref_squeeze %dma_start3A_837 : memref<1x1x200xi32, #tpu.memory_space<vmem>> -> memref<200xi32, #tpu.memory_space<vmem>>
      %dma_start3A_839 = arith.constant 0 : i32
      %dma_start3A_840 = arith.constant 0 : i32
      %dma_start3A_841 = tpu.memref_slice %arg3[%dma_start3A_839, %dma_start3A_840] : memref<1000000x64xf32, #tpu.memory_space<hbm>> -> memref<1000000x64xf32, #tpu.memory_space<hbm>>
      %dma_start3A_842 = tpu.memref_slice %arg8[%dma_start3A_831] : memref<2x!tpu.dma_semaphore, #tpu.memory_space<semaphore_mem>> -> memref<1x!tpu.dma_semaphore, #tpu.memory_space<semaphore_mem>>
      %dma_start3A_843 = tpu.memref_squeeze %dma_start3A_842 : memref<1x!tpu.dma_semaphore, #tpu.memory_space<semaphore_mem>> -> memref<!tpu.dma_semaphore, #tpu.memory_space<semaphore_mem>>
      tpu.enqueue_indirect_dma source(%dma_start3A_841 : memref<1000000x64xf32, #tpu.memory_space<hbm>>) target(%dma_start3A_835 : memref<200x64xf32, #tpu.memory_space<vmem>>) offsets(%dma_start3A_838 : memref<200xi32, #tpu.memory_space<vmem>>) semaphore(%dma_start3A_843 : memref<!tpu.dma_semaphore, #tpu.memory_space<semaphore_mem>>)
      %dma_start3A_844 = arith.constant 1 : i32
      %dma_start3A_845 = arith.constant 1 : i32
      %dma_start3A_846 = arith.constant 1 : i32
      %dma_start3A_847 = arith.constant 1 : i32
      %dma_start3A_848 = arith.constant 1 : i32
      %dma_start3A_849 = arith.constant 0 : i32
      %dma_start3A_850 = arith.constant 0 : i32
      %dma_start3A_851 = tpu.memref_slice %arg6[%dma_start3A_846, %dma_start3A_847, %dma_start3A_849, %dma_start3A_850] : memref<2x4x200x64xf32, #tpu.memory_space<vmem>> -> memref<1x1x200x64xf32, #tpu.memory_space<vmem>>
      %dma_start3A_852 = tpu.memref_squeeze %dma_start3A_851 : memref<1x1x200x64xf32, #tpu.memory_space<vmem>> -> memref<200x64xf32, #tpu.memory_space<vmem>>
      %dma_start3A_853 = arith.constant 0 : i32
      %dma_start3A_854 = tpu.memref_slice %arg5[%dma_start3A_844, %dma_start3A_845, %dma_start3A_853] : memref<2x4x200xi32, #tpu.memory_space<vmem>> -> memref<1x1x200xi32, #tpu.memory_space<vmem>>
      %dma_start3A_855 = tpu.memref_squeeze %dma_start3A_854 : memref<1x1x200xi32, #tpu.memory_space<vmem>> -> memref<200xi32, #tpu.memory_space<vmem>>
      %dma_start3A_856 = arith.constant 0 : i32
      %dma_start3A_857 = arith.constant 0 : i32
      %dma_start3A_858 = tpu.memref_slice %arg3[%dma_start3A_856, %dma_start3A_857] : memref<1000000x64xf32, #tpu.memory_space<hbm>> -> memref<1000000x64xf32, #tpu.memory_space<hbm>>
      %dma_start3A_859 = tpu.memref_slice %arg8[%dma_start3A_848] : memref<2x!tpu.dma_semaphore, #tpu.memory_space<semaphore_mem>> -> memref<1x!tpu.dma_semaphore, #tpu.memory_space<semaphore_mem>>
      %dma_start3A_860 = tpu.memref_squeeze %dma_start3A_859 : memref<1x!tpu.dma_semaphore, #tpu.memory_space<semaphore_mem>> -> memref<!tpu.dma_semaphore, #tpu.memory_space<semaphore_mem>>
      tpu.enqueue_indirect_dma source(%dma_start3A_858 : memref<1000000x64xf32, #tpu.memory_space<hbm>>) target(%dma_start3A_852 : memref<200x64xf32, #tpu.memory_space<vmem>>) offsets(%dma_start3A_855 : memref<200xi32, #tpu.memory_space<vmem>>) semaphore(%dma_start3A_860 : memref<!tpu.dma_semaphore, #tpu.memory_space<semaphore_mem>>)
      %dma_start3A_861 = arith.constant 1 : i32
      %dma_start3A_862 = arith.constant 2 : i32
      %dma_start3A_863 = arith.constant 1 : i32
      %dma_start3A_864 = arith.constant 2 : i32
      %dma_start3A_865 = arith.constant 1 : i32
      %dma_start3A_866 = arith.constant 0 : i32
      %dma_start3A_867 = arith.constant 0 : i32
      %dma_start3A_868 = tpu.memref_slice %arg6[%dma_start3A_863, %dma_start3A_864, %dma_start3A_866, %dma_start3A_867] : memref<2x4x200x64xf32, #tpu.memory_space<vmem>> -> memref<1x1x200x64xf32, #tpu.memory_space<vmem>>
      %dma_start3A_869 = tpu.memref_squeeze %dma_start3A_868 : memref<1x1x200x64xf32, #tpu.memory_space<vmem>> -> memref<200x64xf32, #tpu.memory_space<vmem>>
      %dma_start3A_870 = arith.constant 0 : i32
      %dma_start3A_871 = tpu.memref_slice %arg5[%dma_start3A_861, %dma_start3A_862, %dma_start3A_870] : memref<2x4x200xi32, #tpu.memory_space<vmem>> -> memref<1x1x200xi32, #tpu.memory_space<vmem>>
      %dma_start3A_872 = tpu.memref_squeeze %dma_start3A_871 : memref<1x1x200xi32, #tpu.memory_space<vmem>> -> memref<200xi32, #tpu.memory_space<vmem>>
      %dma_start3A_873 = arith.constant 0 : i32
      %dma_start3A_874 = arith.constant 0 : i32
      %dma_start3A_875 = tpu.memref_slice %arg3[%dma_start3A_873, %dma_start3A_874] : memref<1000000x64xf32, #tpu.memory_space<hbm>> -> memref<1000000x64xf32, #tpu.memory_space<hbm>>
      %dma_start3A_876 = tpu.memref_slice %arg8[%dma_start3A_865] : memref<2x!tpu.dma_semaphore, #tpu.memory_space<semaphore_mem>> -> memref<1x!tpu.dma_semaphore, #tpu.memory_space<semaphore_mem>>
      %dma_start3A_877 = tpu.memref_squeeze %dma_start3A_876 : memref<1x!tpu.dma_semaphore, #tpu.memory_space<semaphore_mem>> -> memref<!tpu.dma_semaphore, #tpu.memory_space<semaphore_mem>>
      tpu.enqueue_indirect_dma source(%dma_start3A_875 : memref<1000000x64xf32, #tpu.memory_space<hbm>>) target(%dma_start3A_869 : memref<200x64xf32, #tpu.memory_space<vmem>>) offsets(%dma_start3A_872 : memref<200xi32, #tpu.memory_space<vmem>>) semaphore(%dma_start3A_877 : memref<!tpu.dma_semaphore, #tpu.memory_space<semaphore_mem>>)
      %dma_start3A_878 = arith.constant 1 : i32
      %dma_start3A_879 = arith.constant 3 : i32
      %dma_start3A_880 = arith.constant 1 : i32
      %dma_start3A_881 = arith.constant 3 : i32
      %dma_start3A_882 = arith.constant 1 : i32
      %dma_start3A_883 = arith.constant 0 : i32
      %dma_start3A_884 = arith.constant 0 : i32
      %dma_start3A_885 = tpu.memref_slice %arg6[%dma_start3A_880, %dma_start3A_881, %dma_start3A_883, %dma_start3A_884] : memref<2x4x200x64xf32, #tpu.memory_space<vmem>> -> memref<1x1x200x64xf32, #tpu.memory_space<vmem>>
      %dma_start3A_886 = tpu.memref_squeeze %dma_start3A_885 : memref<1x1x200x64xf32, #tpu.memory_space<vmem>> -> memref<200x64xf32, #tpu.memory_space<vmem>>
      %dma_start3A_887 = arith.constant 0 : i32
      %dma_start3A_888 = tpu.memref_slice %arg5[%dma_start3A_878, %dma_start3A_879, %dma_start3A_887] : memref<2x4x200xi32, #tpu.memory_space<vmem>> -> memref<1x1x200xi32, #tpu.memory_space<vmem>>
      %dma_start3A_889 = tpu.memref_squeeze %dma_start3A_888 : memref<1x1x200xi32, #tpu.memory_space<vmem>> -> memref<200xi32, #tpu.memory_space<vmem>>
      %dma_start3A_890 = arith.constant 0 : i32
      %dma_start3A_891 = arith.constant 0 : i32
      %dma_start3A_892 = tpu.memref_slice %arg3[%dma_start3A_890, %dma_start3A_891] : memref<1000000x64xf32, #tpu.memory_space<hbm>> -> memref<1000000x64xf32, #tpu.memory_space<hbm>>
      %dma_start3A_893 = tpu.memref_slice %arg8[%dma_start3A_882] : memref<2x!tpu.dma_semaphore, #tpu.memory_space<semaphore_mem>> -> memref<1x!tpu.dma_semaphore, #tpu.memory_space<semaphore_mem>>
      %dma_start3A_894 = tpu.memref_squeeze %dma_start3A_893 : memref<1x!tpu.dma_semaphore, #tpu.memory_space<semaphore_mem>> -> memref<!tpu.dma_semaphore, #tpu.memory_space<semaphore_mem>>
      tpu.enqueue_indirect_dma source(%dma_start3A_892 : memref<1000000x64xf32, #tpu.memory_space<hbm>>) target(%dma_start3A_886 : memref<200x64xf32, #tpu.memory_space<vmem>>) offsets(%dma_start3A_889 : memref<200xi32, #tpu.memory_space<vmem>>) semaphore(%dma_start3A_894 : memref<!tpu.dma_semaphore, #tpu.memory_space<semaphore_mem>>)
    }
    %scan3A_213 = arith.constant 63 : i32
    %dma_wait3A_214 = arith.constant 0 : i32
    %dma_wait3A_215 = arith.constant 0 : i32
    %dma_wait3A_216 = arith.constant 0 : i32
    %dma_wait3A_217 = arith.constant 0 : i32
    %dma_wait3A_218 = arith.constant 0 : i32
    %dma_wait3A_219 = arith.constant 0 : i32
    %dma_wait3A_220 = arith.constant 0 : i32
    %dma_wait3A_221 = tpu.memref_slice %arg6[%dma_wait3A_216, %dma_wait3A_217, %dma_wait3A_219, %dma_wait3A_220] : memref<2x4x200x64xf32, #tpu.memory_space<vmem>> -> memref<1x1x200x64xf32, #tpu.memory_space<vmem>>
    %dma_wait3A_222 = tpu.memref_squeeze %dma_wait3A_221 : memref<1x1x200x64xf32, #tpu.memory_space<vmem>> -> memref<200x64xf32, #tpu.memory_space<vmem>>
    %dma_wait3A_223 = arith.constant 0 : i32
    %dma_wait3A_224 = tpu.memref_slice %arg5[%dma_wait3A_214, %dma_wait3A_215, %dma_wait3A_223] : memref<2x4x200xi32, #tpu.memory_space<vmem>> -> memref<1x1x200xi32, #tpu.memory_space<vmem>>
    %dma_wait3A_225 = tpu.memref_squeeze %dma_wait3A_224 : memref<1x1x200xi32, #tpu.memory_space<vmem>> -> memref<200xi32, #tpu.memory_space<vmem>>
    %dma_wait3A_226 = arith.constant 0 : i32
    %dma_wait3A_227 = arith.constant 0 : i32
    %dma_wait3A_228 = tpu.memref_slice %arg3[%dma_wait3A_226, %dma_wait3A_227] : memref<1000000x64xf32, #tpu.memory_space<hbm>> -> memref<1000000x64xf32, #tpu.memory_space<hbm>>
    %dma_wait3A_229 = tpu.memref_slice %arg8[%dma_wait3A_218] : memref<2x!tpu.dma_semaphore, #tpu.memory_space<semaphore_mem>> -> memref<1x!tpu.dma_semaphore, #tpu.memory_space<semaphore_mem>>
    %dma_wait3A_230 = tpu.memref_squeeze %dma_wait3A_229 : memref<1x!tpu.dma_semaphore, #tpu.memory_space<semaphore_mem>> -> memref<!tpu.dma_semaphore, #tpu.memory_space<semaphore_mem>>
    tpu.wait_indirect_dma semaphore(%dma_wait3A_230 : memref<!tpu.dma_semaphore, #tpu.memory_space<semaphore_mem>>) src(%dma_wait3A_228 : memref<1000000x64xf32, #tpu.memory_space<hbm>>) dst(%dma_wait3A_222 : memref<200x64xf32, #tpu.memory_space<vmem>>)
    %dma_wait3A_231 = arith.constant 0 : i32
    %dma_wait3A_232 = arith.constant 1 : i32
    %dma_wait3A_233 = arith.constant 0 : i32
    %dma_wait3A_234 = arith.constant 1 : i32
    %dma_wait3A_235 = arith.constant 0 : i32
    %dma_wait3A_236 = arith.constant 0 : i32
    %dma_wait3A_237 = arith.constant 0 : i32
    %dma_wait3A_238 = tpu.memref_slice %arg6[%dma_wait3A_233, %dma_wait3A_234, %dma_wait3A_236, %dma_wait3A_237] : memref<2x4x200x64xf32, #tpu.memory_space<vmem>> -> memref<1x1x200x64xf32, #tpu.memory_space<vmem>>
    %dma_wait3A_239 = tpu.memref_squeeze %dma_wait3A_238 : memref<1x1x200x64xf32, #tpu.memory_space<vmem>> -> memref<200x64xf32, #tpu.memory_space<vmem>>
    %dma_wait3A_240 = arith.constant 0 : i32
    %dma_wait3A_241 = tpu.memref_slice %arg5[%dma_wait3A_231, %dma_wait3A_232, %dma_wait3A_240] : memref<2x4x200xi32, #tpu.memory_space<vmem>> -> memref<1x1x200xi32, #tpu.memory_space<vmem>>
    %dma_wait3A_242 = tpu.memref_squeeze %dma_wait3A_241 : memref<1x1x200xi32, #tpu.memory_space<vmem>> -> memref<200xi32, #tpu.memory_space<vmem>>
    %dma_wait3A_243 = arith.constant 0 : i32
    %dma_wait3A_244 = arith.constant 0 : i32
    %dma_wait3A_245 = tpu.memref_slice %arg3[%dma_wait3A_243, %dma_wait3A_244] : memref<1000000x64xf32, #tpu.memory_space<hbm>> -> memref<1000000x64xf32, #tpu.memory_space<hbm>>
    %dma_wait3A_246 = tpu.memref_slice %arg8[%dma_wait3A_235] : memref<2x!tpu.dma_semaphore, #tpu.memory_space<semaphore_mem>> -> memref<1x!tpu.dma_semaphore, #tpu.memory_space<semaphore_mem>>
    %dma_wait3A_247 = tpu.memref_squeeze %dma_wait3A_246 : memref<1x!tpu.dma_semaphore, #tpu.memory_space<semaphore_mem>> -> memref<!tpu.dma_semaphore, #tpu.memory_space<semaphore_mem>>
    tpu.wait_indirect_dma semaphore(%dma_wait3A_247 : memref<!tpu.dma_semaphore, #tpu.memory_space<semaphore_mem>>) src(%dma_wait3A_245 : memref<1000000x64xf32, #tpu.memory_space<hbm>>) dst(%dma_wait3A_239 : memref<200x64xf32, #tpu.memory_space<vmem>>)
    %dma_wait3A_248 = arith.constant 0 : i32
    %dma_wait3A_249 = arith.constant 2 : i32
    %dma_wait3A_250 = arith.constant 0 : i32
    %dma_wait3A_251 = arith.constant 2 : i32
    %dma_wait3A_252 = arith.constant 0 : i32
    %dma_wait3A_253 = arith.constant 0 : i32
    %dma_wait3A_254 = arith.constant 0 : i32
    %dma_wait3A_255 = tpu.memref_slice %arg6[%dma_wait3A_250, %dma_wait3A_251, %dma_wait3A_253, %dma_wait3A_254] : memref<2x4x200x64xf32, #tpu.memory_space<vmem>> -> memref<1x1x200x64xf32, #tpu.memory_space<vmem>>
    %dma_wait3A_256 = tpu.memref_squeeze %dma_wait3A_255 : memref<1x1x200x64xf32, #tpu.memory_space<vmem>> -> memref<200x64xf32, #tpu.memory_space<vmem>>
    %dma_wait3A_257 = arith.constant 0 : i32
    %dma_wait3A_258 = tpu.memref_slice %arg5[%dma_wait3A_248, %dma_wait3A_249, %dma_wait3A_257] : memref<2x4x200xi32, #tpu.memory_space<vmem>> -> memref<1x1x200xi32, #tpu.memory_space<vmem>>
    %dma_wait3A_259 = tpu.memref_squeeze %dma_wait3A_258 : memref<1x1x200xi32, #tpu.memory_space<vmem>> -> memref<200xi32, #tpu.memory_space<vmem>>
    %dma_wait3A_260 = arith.constant 0 : i32
    %dma_wait3A_261 = arith.constant 0 : i32
    %dma_wait3A_262 = tpu.memref_slice %arg3[%dma_wait3A_260, %dma_wait3A_261] : memref<1000000x64xf32, #tpu.memory_space<hbm>> -> memref<1000000x64xf32, #tpu.memory_space<hbm>>
    %dma_wait3A_263 = tpu.memref_slice %arg8[%dma_wait3A_252] : memref<2x!tpu.dma_semaphore, #tpu.memory_space<semaphore_mem>> -> memref<1x!tpu.dma_semaphore, #tpu.memory_space<semaphore_mem>>
    %dma_wait3A_264 = tpu.memref_squeeze %dma_wait3A_263 : memref<1x!tpu.dma_semaphore, #tpu.memory_space<semaphore_mem>> -> memref<!tpu.dma_semaphore, #tpu.memory_space<semaphore_mem>>
    tpu.wait_indirect_dma semaphore(%dma_wait3A_264 : memref<!tpu.dma_semaphore, #tpu.memory_space<semaphore_mem>>) src(%dma_wait3A_262 : memref<1000000x64xf32, #tpu.memory_space<hbm>>) dst(%dma_wait3A_256 : memref<200x64xf32, #tpu.memory_space<vmem>>)
    %dma_wait3A_265 = arith.constant 0 : i32
    %dma_wait3A_266 = arith.constant 3 : i32
    %dma_wait3A_267 = arith.constant 0 : i32
    %dma_wait3A_268 = arith.constant 3 : i32
    %dma_wait3A_269 = arith.constant 0 : i32
    %dma_wait3A_270 = arith.constant 0 : i32
    %dma_wait3A_271 = arith.constant 0 : i32
    %dma_wait3A_272 = tpu.memref_slice %arg6[%dma_wait3A_267, %dma_wait3A_268, %dma_wait3A_270, %dma_wait3A_271] : memref<2x4x200x64xf32, #tpu.memory_space<vmem>> -> memref<1x1x200x64xf32, #tpu.memory_space<vmem>>
    %dma_wait3A_273 = tpu.memref_squeeze %dma_wait3A_272 : memref<1x1x200x64xf32, #tpu.memory_space<vmem>> -> memref<200x64xf32, #tpu.memory_space<vmem>>
    %dma_wait3A_274 = arith.constant 0 : i32
    %dma_wait3A_275 = tpu.memref_slice %arg5[%dma_wait3A_265, %dma_wait3A_266, %dma_wait3A_274] : memref<2x4x200xi32, #tpu.memory_space<vmem>> -> memref<1x1x200xi32, #tpu.memory_space<vmem>>
    %dma_wait3A_276 = tpu.memref_squeeze %dma_wait3A_275 : memref<1x1x200xi32, #tpu.memory_space<vmem>> -> memref<200xi32, #tpu.memory_space<vmem>>
    %dma_wait3A_277 = arith.constant 0 : i32
    %dma_wait3A_278 = arith.constant 0 : i32
    %dma_wait3A_279 = tpu.memref_slice %arg3[%dma_wait3A_277, %dma_wait3A_278] : memref<1000000x64xf32, #tpu.memory_space<hbm>> -> memref<1000000x64xf32, #tpu.memory_space<hbm>>
    %dma_wait3A_280 = tpu.memref_slice %arg8[%dma_wait3A_269] : memref<2x!tpu.dma_semaphore, #tpu.memory_space<semaphore_mem>> -> memref<1x!tpu.dma_semaphore, #tpu.memory_space<semaphore_mem>>
    %dma_wait3A_281 = tpu.memref_squeeze %dma_wait3A_280 : memref<1x!tpu.dma_semaphore, #tpu.memory_space<semaphore_mem>> -> memref<!tpu.dma_semaphore, #tpu.memory_space<semaphore_mem>>
    tpu.wait_indirect_dma semaphore(%dma_wait3A_281 : memref<!tpu.dma_semaphore, #tpu.memory_space<semaphore_mem>>) src(%dma_wait3A_279 : memref<1000000x64xf32, #tpu.memory_space<hbm>>) dst(%dma_wait3A_273 : memref<200x64xf32, #tpu.memory_space<vmem>>)
    %add3A_282 = arith.constant 504 : i32
    %add3A_283 = arith.addi %mul3A_2, %add3A_282 : i32
    %dma_start3A_284 = arith.constant 0 : i32
    %dma_start3A_285 = arith.constant 0 : i32
    %dma_start3A_286 = arith.constant 0 : i32
    %dma_start3A_287 = arith.constant 0 : i32
    %dma_start3A_288 = arith.constant 0 : i32
    %dma_start3A_289 = tpu.memref_slice %arg6[%dma_start3A_284, %dma_start3A_286, %dma_start3A_287, %dma_start3A_288] : memref<2x4x200x64xf32, #tpu.memory_space<vmem>> -> memref<1x4x200x64xf32, #tpu.memory_space<vmem>>
    %dma_start3A_290 = tpu.memref_squeeze %dma_start3A_289 : memref<1x4x200x64xf32, #tpu.memory_space<vmem>> -> memref<4x200x64xf32, #tpu.memory_space<vmem>>
    %dma_start3A_291 = arith.constant 0 : i32
    %dma_start3A_292 = arith.constant 0 : i32
    %dma_start3A_293 = tpu.memref_slice %arg4[%add3A_283, %dma_start3A_291, %dma_start3A_292] : memref<16384x200x64xf32, #tpu.memory_space<hbm>> -> memref<4x200x64xf32, #tpu.memory_space<hbm>>
    %dma_start3A_294 = tpu.memref_slice %arg9[%dma_start3A_285] : memref<2x!tpu.dma_semaphore, #tpu.memory_space<semaphore_mem>> -> memref<1x!tpu.dma_semaphore, #tpu.memory_space<semaphore_mem>>
    %dma_start3A_295 = tpu.memref_squeeze %dma_start3A_294 : memref<1x!tpu.dma_semaphore, #tpu.memory_space<semaphore_mem>> -> memref<!tpu.dma_semaphore, #tpu.memory_space<semaphore_mem>>
    %dma_start3A_296 = arith.constant 0 : i32
    %dma_start3A_297 = arith.constant 0 : i32
    %dma_start3A_298 = tpu.memref_slice %arg4[%add3A_283, %dma_start3A_296, %dma_start3A_297] : memref<16384x200x64xf32, #tpu.memory_space<hbm>> -> memref<4x200x64xf32, #tpu.memory_space<hbm>>
    %dma_start3A_299 = arith.constant 0 : i32
    %dma_start3A_300 = arith.constant 0 : i32
    %dma_start3A_301 = arith.constant 0 : i32
    %dma_start3A_302 = tpu.memref_slice %arg6[%dma_start3A_284, %dma_start3A_299, %dma_start3A_300, %dma_start3A_301] : memref<2x4x200x64xf32, #tpu.memory_space<vmem>> -> memref<1x4x200x64xf32, #tpu.memory_space<vmem>>
    %dma_start3A_303 = tpu.memref_squeeze %dma_start3A_302 : memref<1x4x200x64xf32, #tpu.memory_space<vmem>> -> memref<4x200x64xf32, #tpu.memory_space<vmem>>
    tpu.enqueue_dma source(%dma_start3A_303 : memref<4x200x64xf32, #tpu.memory_space<vmem>>) target(%dma_start3A_298 : memref<4x200x64xf32, #tpu.memory_space<hbm>>) target_semaphore(%dma_start3A_295 : memref<!tpu.dma_semaphore, #tpu.memory_space<semaphore_mem>>)
    %dma_wait3A_304 = arith.constant 1 : i32
    %dma_wait3A_305 = arith.constant 0 : i32
    %dma_wait3A_306 = arith.constant 1 : i32
    %dma_wait3A_307 = arith.constant 0 : i32
    %dma_wait3A_308 = arith.constant 1 : i32
    %dma_wait3A_309 = arith.constant 0 : i32
    %dma_wait3A_310 = arith.constant 0 : i32
    %dma_wait3A_311 = tpu.memref_slice %arg6[%dma_wait3A_306, %dma_wait3A_307, %dma_wait3A_309, %dma_wait3A_310] : memref<2x4x200x64xf32, #tpu.memory_space<vmem>> -> memref<1x1x200x64xf32, #tpu.memory_space<vmem>>
    %dma_wait3A_312 = tpu.memref_squeeze %dma_wait3A_311 : memref<1x1x200x64xf32, #tpu.memory_space<vmem>> -> memref<200x64xf32, #tpu.memory_space<vmem>>
    %dma_wait3A_313 = arith.constant 0 : i32
    %dma_wait3A_314 = tpu.memref_slice %arg5[%dma_wait3A_304, %dma_wait3A_305, %dma_wait3A_313] : memref<2x4x200xi32, #tpu.memory_space<vmem>> -> memref<1x1x200xi32, #tpu.memory_space<vmem>>
    %dma_wait3A_315 = tpu.memref_squeeze %dma_wait3A_314 : memref<1x1x200xi32, #tpu.memory_space<vmem>> -> memref<200xi32, #tpu.memory_space<vmem>>
    %dma_wait3A_316 = arith.constant 0 : i32
    %dma_wait3A_317 = arith.constant 0 : i32
    %dma_wait3A_318 = tpu.memref_slice %arg3[%dma_wait3A_316, %dma_wait3A_317] : memref<1000000x64xf32, #tpu.memory_space<hbm>> -> memref<1000000x64xf32, #tpu.memory_space<hbm>>
    %dma_wait3A_319 = tpu.memref_slice %arg8[%dma_wait3A_308] : memref<2x!tpu.dma_semaphore, #tpu.memory_space<semaphore_mem>> -> memref<1x!tpu.dma_semaphore, #tpu.memory_space<semaphore_mem>>
    %dma_wait3A_320 = tpu.memref_squeeze %dma_wait3A_319 : memref<1x!tpu.dma_semaphore, #tpu.memory_space<semaphore_mem>> -> memref<!tpu.dma_semaphore, #tpu.memory_space<semaphore_mem>>
    tpu.wait_indirect_dma semaphore(%dma_wait3A_320 : memref<!tpu.dma_semaphore, #tpu.memory_space<semaphore_mem>>) src(%dma_wait3A_318 : memref<1000000x64xf32, #tpu.memory_space<hbm>>) dst(%dma_wait3A_312 : memref<200x64xf32, #tpu.memory_space<vmem>>)
    %dma_wait3A_321 = arith.constant 1 : i32
    %dma_wait3A_322 = arith.constant 1 : i32
    %dma_wait3A_323 = arith.constant 1 : i32
    %dma_wait3A_324 = arith.constant 1 : i32
    %dma_wait3A_325 = arith.constant 1 : i32
    %dma_wait3A_326 = arith.constant 0 : i32
    %dma_wait3A_327 = arith.constant 0 : i32
    %dma_wait3A_328 = tpu.memref_slice %arg6[%dma_wait3A_323, %dma_wait3A_324, %dma_wait3A_326, %dma_wait3A_327] : memref<2x4x200x64xf32, #tpu.memory_space<vmem>> -> memref<1x1x200x64xf32, #tpu.memory_space<vmem>>
    %dma_wait3A_329 = tpu.memref_squeeze %dma_wait3A_328 : memref<1x1x200x64xf32, #tpu.memory_space<vmem>> -> memref<200x64xf32, #tpu.memory_space<vmem>>
    %dma_wait3A_330 = arith.constant 0 : i32
    %dma_wait3A_331 = tpu.memref_slice %arg5[%dma_wait3A_321, %dma_wait3A_322, %dma_wait3A_330] : memref<2x4x200xi32, #tpu.memory_space<vmem>> -> memref<1x1x200xi32, #tpu.memory_space<vmem>>
    %dma_wait3A_332 = tpu.memref_squeeze %dma_wait3A_331 : memref<1x1x200xi32, #tpu.memory_space<vmem>> -> memref<200xi32, #tpu.memory_space<vmem>>
    %dma_wait3A_333 = arith.constant 0 : i32
    %dma_wait3A_334 = arith.constant 0 : i32
    %dma_wait3A_335 = tpu.memref_slice %arg3[%dma_wait3A_333, %dma_wait3A_334] : memref<1000000x64xf32, #tpu.memory_space<hbm>> -> memref<1000000x64xf32, #tpu.memory_space<hbm>>
    %dma_wait3A_336 = tpu.memref_slice %arg8[%dma_wait3A_325] : memref<2x!tpu.dma_semaphore, #tpu.memory_space<semaphore_mem>> -> memref<1x!tpu.dma_semaphore, #tpu.memory_space<semaphore_mem>>
    %dma_wait3A_337 = tpu.memref_squeeze %dma_wait3A_336 : memref<1x!tpu.dma_semaphore, #tpu.memory_space<semaphore_mem>> -> memref<!tpu.dma_semaphore, #tpu.memory_space<semaphore_mem>>
    tpu.wait_indirect_dma semaphore(%dma_wait3A_337 : memref<!tpu.dma_semaphore, #tpu.memory_space<semaphore_mem>>) src(%dma_wait3A_335 : memref<1000000x64xf32, #tpu.memory_space<hbm>>) dst(%dma_wait3A_329 : memref<200x64xf32, #tpu.memory_space<vmem>>)
    %dma_wait3A_338 = arith.constant 1 : i32
    %dma_wait3A_339 = arith.constant 2 : i32
    %dma_wait3A_340 = arith.constant 1 : i32
    %dma_wait3A_341 = arith.constant 2 : i32
    %dma_wait3A_342 = arith.constant 1 : i32
    %dma_wait3A_343 = arith.constant 0 : i32
    %dma_wait3A_344 = arith.constant 0 : i32
    %dma_wait3A_345 = tpu.memref_slice %arg6[%dma_wait3A_340, %dma_wait3A_341, %dma_wait3A_343, %dma_wait3A_344] : memref<2x4x200x64xf32, #tpu.memory_space<vmem>> -> memref<1x1x200x64xf32, #tpu.memory_space<vmem>>
    %dma_wait3A_346 = tpu.memref_squeeze %dma_wait3A_345 : memref<1x1x200x64xf32, #tpu.memory_space<vmem>> -> memref<200x64xf32, #tpu.memory_space<vmem>>
    %dma_wait3A_347 = arith.constant 0 : i32
    %dma_wait3A_348 = tpu.memref_slice %arg5[%dma_wait3A_338, %dma_wait3A_339, %dma_wait3A_347] : memref<2x4x200xi32, #tpu.memory_space<vmem>> -> memref<1x1x200xi32, #tpu.memory_space<vmem>>
    %dma_wait3A_349 = tpu.memref_squeeze %dma_wait3A_348 : memref<1x1x200xi32, #tpu.memory_space<vmem>> -> memref<200xi32, #tpu.memory_space<vmem>>
    %dma_wait3A_350 = arith.constant 0 : i32
    %dma_wait3A_351 = arith.constant 0 : i32
    %dma_wait3A_352 = tpu.memref_slice %arg3[%dma_wait3A_350, %dma_wait3A_351] : memref<1000000x64xf32, #tpu.memory_space<hbm>> -> memref<1000000x64xf32, #tpu.memory_space<hbm>>
    %dma_wait3A_353 = tpu.memref_slice %arg8[%dma_wait3A_342] : memref<2x!tpu.dma_semaphore, #tpu.memory_space<semaphore_mem>> -> memref<1x!tpu.dma_semaphore, #tpu.memory_space<semaphore_mem>>
    %dma_wait3A_354 = tpu.memref_squeeze %dma_wait3A_353 : memref<1x!tpu.dma_semaphore, #tpu.memory_space<semaphore_mem>> -> memref<!tpu.dma_semaphore, #tpu.memory_space<semaphore_mem>>
    tpu.wait_indirect_dma semaphore(%dma_wait3A_354 : memref<!tpu.dma_semaphore, #tpu.memory_space<semaphore_mem>>) src(%dma_wait3A_352 : memref<1000000x64xf32, #tpu.memory_space<hbm>>) dst(%dma_wait3A_346 : memref<200x64xf32, #tpu.memory_space<vmem>>)
    %dma_wait3A_355 = arith.constant 1 : i32
    %dma_wait3A_356 = arith.constant 3 : i32
    %dma_wait3A_357 = arith.constant 1 : i32
    %dma_wait3A_358 = arith.constant 3 : i32
    %dma_wait3A_359 = arith.constant 1 : i32
    %dma_wait3A_360 = arith.constant 0 : i32
    %dma_wait3A_361 = arith.constant 0 : i32
    %dma_wait3A_362 = tpu.memref_slice %arg6[%dma_wait3A_357, %dma_wait3A_358, %dma_wait3A_360, %dma_wait3A_361] : memref<2x4x200x64xf32, #tpu.memory_space<vmem>> -> memref<1x1x200x64xf32, #tpu.memory_space<vmem>>
    %dma_wait3A_363 = tpu.memref_squeeze %dma_wait3A_362 : memref<1x1x200x64xf32, #tpu.memory_space<vmem>> -> memref<200x64xf32, #tpu.memory_space<vmem>>
    %dma_wait3A_364 = arith.constant 0 : i32
    %dma_wait3A_365 = tpu.memref_slice %arg5[%dma_wait3A_355, %dma_wait3A_356, %dma_wait3A_364] : memref<2x4x200xi32, #tpu.memory_space<vmem>> -> memref<1x1x200xi32, #tpu.memory_space<vmem>>
    %dma_wait3A_366 = tpu.memref_squeeze %dma_wait3A_365 : memref<1x1x200xi32, #tpu.memory_space<vmem>> -> memref<200xi32, #tpu.memory_space<vmem>>
    %dma_wait3A_367 = arith.constant 0 : i32
    %dma_wait3A_368 = arith.constant 0 : i32
    %dma_wait3A_369 = tpu.memref_slice %arg3[%dma_wait3A_367, %dma_wait3A_368] : memref<1000000x64xf32, #tpu.memory_space<hbm>> -> memref<1000000x64xf32, #tpu.memory_space<hbm>>
    %dma_wait3A_370 = tpu.memref_slice %arg8[%dma_wait3A_359] : memref<2x!tpu.dma_semaphore, #tpu.memory_space<semaphore_mem>> -> memref<1x!tpu.dma_semaphore, #tpu.memory_space<semaphore_mem>>
    %dma_wait3A_371 = tpu.memref_squeeze %dma_wait3A_370 : memref<1x!tpu.dma_semaphore, #tpu.memory_space<semaphore_mem>> -> memref<!tpu.dma_semaphore, #tpu.memory_space<semaphore_mem>>
    tpu.wait_indirect_dma semaphore(%dma_wait3A_371 : memref<!tpu.dma_semaphore, #tpu.memory_space<semaphore_mem>>) src(%dma_wait3A_369 : memref<1000000x64xf32, #tpu.memory_space<hbm>>) dst(%dma_wait3A_363 : memref<200x64xf32, #tpu.memory_space<vmem>>)
    %add3A_372 = arith.constant 508 : i32
    %add3A_373 = arith.addi %mul3A_2, %add3A_372 : i32
    %dma_start3A_374 = arith.constant 1 : i32
    %dma_start3A_375 = arith.constant 1 : i32
    %dma_start3A_376 = arith.constant 0 : i32
    %dma_start3A_377 = arith.constant 0 : i32
    %dma_start3A_378 = arith.constant 0 : i32
    %dma_start3A_379 = tpu.memref_slice %arg6[%dma_start3A_374, %dma_start3A_376, %dma_start3A_377, %dma_start3A_378] : memref<2x4x200x64xf32, #tpu.memory_space<vmem>> -> memref<1x4x200x64xf32, #tpu.memory_space<vmem>>
    %dma_start3A_380 = tpu.memref_squeeze %dma_start3A_379 : memref<1x4x200x64xf32, #tpu.memory_space<vmem>> -> memref<4x200x64xf32, #tpu.memory_space<vmem>>
    %dma_start3A_381 = arith.constant 0 : i32
    %dma_start3A_382 = arith.constant 0 : i32
    %dma_start3A_383 = tpu.memref_slice %arg4[%add3A_373, %dma_start3A_381, %dma_start3A_382] : memref<16384x200x64xf32, #tpu.memory_space<hbm>> -> memref<4x200x64xf32, #tpu.memory_space<hbm>>
    %dma_start3A_384 = tpu.memref_slice %arg9[%dma_start3A_375] : memref<2x!tpu.dma_semaphore, #tpu.memory_space<semaphore_mem>> -> memref<1x!tpu.dma_semaphore, #tpu.memory_space<semaphore_mem>>
    %dma_start3A_385 = tpu.memref_squeeze %dma_start3A_384 : memref<1x!tpu.dma_semaphore, #tpu.memory_space<semaphore_mem>> -> memref<!tpu.dma_semaphore, #tpu.memory_space<semaphore_mem>>
    %dma_start3A_386 = arith.constant 0 : i32
    %dma_start3A_387 = arith.constant 0 : i32
    %dma_start3A_388 = tpu.memref_slice %arg4[%add3A_373, %dma_start3A_386, %dma_start3A_387] : memref<16384x200x64xf32, #tpu.memory_space<hbm>> -> memref<4x200x64xf32, #tpu.memory_space<hbm>>
    %dma_start3A_389 = arith.constant 0 : i32
    %dma_start3A_390 = arith.constant 0 : i32
    %dma_start3A_391 = arith.constant 0 : i32
    %dma_start3A_392 = tpu.memref_slice %arg6[%dma_start3A_374, %dma_start3A_389, %dma_start3A_390, %dma_start3A_391] : memref<2x4x200x64xf32, #tpu.memory_space<vmem>> -> memref<1x4x200x64xf32, #tpu.memory_space<vmem>>
    %dma_start3A_393 = tpu.memref_squeeze %dma_start3A_392 : memref<1x4x200x64xf32, #tpu.memory_space<vmem>> -> memref<4x200x64xf32, #tpu.memory_space<vmem>>
    tpu.enqueue_dma source(%dma_start3A_393 : memref<4x200x64xf32, #tpu.memory_space<vmem>>) target(%dma_start3A_388 : memref<4x200x64xf32, #tpu.memory_space<hbm>>) target_semaphore(%dma_start3A_385 : memref<!tpu.dma_semaphore, #tpu.memory_space<semaphore_mem>>)
    %add3A_394 = arith.constant 504 : i32
    %add3A_395 = arith.addi %mul3A_2, %add3A_394 : i32
    %dma_wait3A_396 = arith.constant 0 : i32
    %dma_wait3A_397 = arith.constant 0 : i32
    %dma_wait3A_398 = arith.constant 0 : i32
    %dma_wait3A_399 = arith.constant 0 : i32
    %dma_wait3A_400 = arith.constant 0 : i32
    %dma_wait3A_401 = tpu.memref_slice %arg6[%dma_wait3A_396, %dma_wait3A_398, %dma_wait3A_399, %dma_wait3A_400] : memref<2x4x200x64xf32, #tpu.memory_space<vmem>> -> memref<1x4x200x64xf32, #tpu.memory_space<vmem>>
    %dma_wait3A_402 = tpu.memref_squeeze %dma_wait3A_401 : memref<1x4x200x64xf32, #tpu.memory_space<vmem>> -> memref<4x200x64xf32, #tpu.memory_space<vmem>>
    %dma_wait3A_403 = arith.constant 0 : i32
    %dma_wait3A_404 = arith.constant 0 : i32
    %dma_wait3A_405 = tpu.memref_slice %arg4[%add3A_395, %dma_wait3A_403, %dma_wait3A_404] : memref<16384x200x64xf32, #tpu.memory_space<hbm>> -> memref<4x200x64xf32, #tpu.memory_space<hbm>>
    %dma_wait3A_406 = tpu.memref_slice %arg9[%dma_wait3A_397] : memref<2x!tpu.dma_semaphore, #tpu.memory_space<semaphore_mem>> -> memref<1x!tpu.dma_semaphore, #tpu.memory_space<semaphore_mem>>
    %dma_wait3A_407 = tpu.memref_squeeze %dma_wait3A_406 : memref<1x!tpu.dma_semaphore, #tpu.memory_space<semaphore_mem>> -> memref<!tpu.dma_semaphore, #tpu.memory_space<semaphore_mem>>
    %dma_wait3A_408 = arith.constant 0 : i32
    %dma_wait3A_409 = arith.constant 0 : i32
    %dma_wait3A_410 = tpu.memref_slice %arg4[%add3A_395, %dma_wait3A_408, %dma_wait3A_409] : memref<16384x200x64xf32, #tpu.memory_space<hbm>> -> memref<4x200x64xf32, #tpu.memory_space<hbm>>
    %dma_wait3A_411 = arith.constant 0 : i32
    %dma_wait3A_412 = arith.constant 0 : i32
    %dma_wait3A_413 = arith.constant 0 : i32
    %dma_wait3A_414 = tpu.memref_slice %arg6[%dma_wait3A_396, %dma_wait3A_411, %dma_wait3A_412, %dma_wait3A_413] : memref<2x4x200x64xf32, #tpu.memory_space<vmem>> -> memref<1x4x200x64xf32, #tpu.memory_space<vmem>>
    %dma_wait3A_415 = tpu.memref_squeeze %dma_wait3A_414 : memref<1x4x200x64xf32, #tpu.memory_space<vmem>> -> memref<4x200x64xf32, #tpu.memory_space<vmem>>
    tpu.wait_dma2 semaphore(%dma_wait3A_407 : memref<!tpu.dma_semaphore, #tpu.memory_space<semaphore_mem>>) src(%dma_wait3A_415 : memref<4x200x64xf32, #tpu.memory_space<vmem>>) dst(%dma_wait3A_410 : memref<4x200x64xf32, #tpu.memory_space<hbm>>)
    %add3A_416 = arith.constant 508 : i32
    %add3A_417 = arith.addi %mul3A_2, %add3A_416 : i32
    %dma_wait3A_418 = arith.constant 1 : i32
    %dma_wait3A_419 = arith.constant 1 : i32
    %dma_wait3A_420 = arith.constant 0 : i32
    %dma_wait3A_421 = arith.constant 0 : i32
    %dma_wait3A_422 = arith.constant 0 : i32
    %dma_wait3A_423 = tpu.memref_slice %arg6[%dma_wait3A_418, %dma_wait3A_420, %dma_wait3A_421, %dma_wait3A_422] : memref<2x4x200x64xf32, #tpu.memory_space<vmem>> -> memref<1x4x200x64xf32, #tpu.memory_space<vmem>>
    %dma_wait3A_424 = tpu.memref_squeeze %dma_wait3A_423 : memref<1x4x200x64xf32, #tpu.memory_space<vmem>> -> memref<4x200x64xf32, #tpu.memory_space<vmem>>
    %dma_wait3A_425 = arith.constant 0 : i32
    %dma_wait3A_426 = arith.constant 0 : i32
    %dma_wait3A_427 = tpu.memref_slice %arg4[%add3A_417, %dma_wait3A_425, %dma_wait3A_426] : memref<16384x200x64xf32, #tpu.memory_space<hbm>> -> memref<4x200x64xf32, #tpu.memory_space<hbm>>
    %dma_wait3A_428 = tpu.memref_slice %arg9[%dma_wait3A_419] : memref<2x!tpu.dma_semaphore, #tpu.memory_space<semaphore_mem>> -> memref<1x!tpu.dma_semaphore, #tpu.memory_space<semaphore_mem>>
    %dma_wait3A_429 = tpu.memref_squeeze %dma_wait3A_428 : memref<1x!tpu.dma_semaphore, #tpu.memory_space<semaphore_mem>> -> memref<!tpu.dma_semaphore, #tpu.memory_space<semaphore_mem>>
    %dma_wait3A_430 = arith.constant 0 : i32
    %dma_wait3A_431 = arith.constant 0 : i32
    %dma_wait3A_432 = tpu.memref_slice %arg4[%add3A_417, %dma_wait3A_430, %dma_wait3A_431] : memref<16384x200x64xf32, #tpu.memory_space<hbm>> -> memref<4x200x64xf32, #tpu.memory_space<hbm>>
    %dma_wait3A_433 = arith.constant 0 : i32
    %dma_wait3A_434 = arith.constant 0 : i32
    %dma_wait3A_435 = arith.constant 0 : i32
    %dma_wait3A_436 = tpu.memref_slice %arg6[%dma_wait3A_418, %dma_wait3A_433, %dma_wait3A_434, %dma_wait3A_435] : memref<2x4x200x64xf32, #tpu.memory_space<vmem>> -> memref<1x4x200x64xf32, #tpu.memory_space<vmem>>
    %dma_wait3A_437 = tpu.memref_squeeze %dma_wait3A_436 : memref<1x4x200x64xf32, #tpu.memory_space<vmem>> -> memref<4x200x64xf32, #tpu.memory_space<vmem>>
    tpu.wait_dma2 semaphore(%dma_wait3A_429 : memref<!tpu.dma_semaphore, #tpu.memory_space<semaphore_mem>>) src(%dma_wait3A_437 : memref<4x200x64xf32, #tpu.memory_space<vmem>>) dst(%dma_wait3A_432 : memref<4x200x64xf32, #tpu.memory_space<hbm>>)
    return
  }
}

</mosaic_0001>

<sc_bundles>
// kernel: kernel.3.cloned.1.call-start
scs
__scs_entry_jumppad:
0x0: {  	(pc) =	sbr.rel $0x88, $3  }
0x1: {  	(tag) =	ssettag $0x0;
	lr =	simm.s32 $0x1  }
0x2: {  	[smem:$0x3F9F] =	sst lr;
	_ =	strace $0xD0000000  }
0x3: {  	_ = 	snop  }
0x4: {  	_ = 	snop  }
0x5: {  	_ = 	snop  }
0x6: {  	_ = 	snop  }
0x7: {  	_ = 	snop  }
__scs_overlays_trampoline_lowered:
0x8: {  	[smem:$0x3FAE] =	sst s0  }
0x9: {  	[smem:$0x3FAF] =	sst s1  }
0xa: {  	[smem:$0x3FB0] =	sst s2  }
0xb: {  	[smem:$0x3FB1] =	sst s3  }
0xc: {  	[smem:$0x3FB2] =	sst s4  }
0xd: {  	[smem:$0x3FB3] =	sst s5  }
0xe: {  	[smem:$0x3FB4] =	sst s6  }
0xf: {  	[smem:$0x3FB5] =	sst s7  }
0x10: {  	[smem:$0x3FB6] =	sst s8  }
0x11: {  	[smem:$0x3FB7] =	sst s9;
	s0 =	simm.s32 @!p0 $0x0  }
0x12: {  	s1 =	sld [smem:$0x3F9D];
	s0 =	simm.s32 @p0 $0x1  }
0x13: {  	[smem:$0x3FB8] =	sst s0;
	s0 =	simm.s32 @!p1 $0x0  }
0x14: {  	s2 =	sld [smem:$0x3F9C];
	s0 =	simm.s32 @p1 $0x1  }
0x15: {  	[smem:$0x3FB9] =	sst s0;
	s0 =	simm.s32 @!p2 $0x0  }
0x16: {  	s3 =	sld [smem:$0x3FDB];
	s0 =	simm.s32 @p2 $0x1  }
0x17: {  	s4 =	simm.s32 $0x1BF5;
	[smem:$0x3FBB] =	sst s0  }
0x18: {  	s0 =	sld [smem:$0x3F9E];
	_ =	swait.ge [sflag:s4], $0x0  }
0x19: {  	s7 =	sld [smem:$0x3F9F]  }
0x1a: {  	s8 =	sadd.s32 $0xFFFFE003, lr  }
0x1b: {  	s9 =	sadd.s32 $0xFFFFFEF7, lr;
	s5 =	simm.s32 $0xFFFFFFFF;
	p2 =	slt.u32 s8, $0xFFFFF086  }
0x1c: {  	p1 =	slt.u32 s9, $0xF7A;
	s5 =	simm.s32 @!p2 $0x0  }
0x1d: {  	s5 =	simm.s32 @p1 $0x1;
	p0 =	seq.s32 s7, s2  }
0x1e: {  	s7 =	smul.u32 @!p0 $0xF7A, s2;
	p2 =	seq.s32 @!p0 s5, $0x0  }
0x1f: {  	s9 =	smul.u32 $0xF7A, s1;
	s8 =	simm.s32 @!p0 $0x1BF5;
	p2 =	por !p2, p0  }
0x20: {  	[sflag:s8] =	ssyncset.s32 @!p0 $0xFFFFF086;
	s6 =	sadd.s32 @!p0 s3, s7;
	s7 =	simm.s32 @!p0 $0x108  }
0x21: {  	s3 =	sadd.s32 s3, s9;
	s6 =	sadd.s32 @!p0 $0x88, s6;
	s7 =	simm.s32 @p2 $0x1082  }
0x22: {  	[simem:s7], [sflag:s8] =	dma.local @!p0 [hbm:s6], $0xF7A  }
0x23: {  	s9 =	sor.u32 $0xD0000000, s2;
	s6 =	simm.s32 $0x108;
	_ =	swait.ge @!p0 [sflag:s8], $0x0  }
0x24: {  	s3 =	sadd.s32 $0x88, s3;
	s6 =	simm.s32 @!p1 $0x1082;
	[sflag:s4] =	ssyncset.s32 $0xFFFFF086  }
0x25: {  	[simem:s6], [sflag:s4] =	dma.local [hbm:s3], $0xF7A  }
0x26: {  	[smem:$0x3F9F] =	sst s1;
	(tag) =	ssettag s2;
	_ =	strace s9  }
0x27: {  	s1 =	sld [smem:$0x3FAF]  }
0x28: {  	s2 =	sld [smem:$0x3FB0]  }
0x29: {  	s4 =	sld [smem:$0x3FB2]  }
0x2a: {  	p0 =	seq.s32 s5, $0x0;
	s5 =	sld [smem:$0x3FB3]  }
0x2b: {  	s6 =	sld [smem:$0x3FB4]  }
0x2c: {  	s7 =	sld [smem:$0x3FB5]  }
0x2d: {  	s3 =	simm.s32 $0x108;
	s8 =	sld [smem:$0x3FB6]  }
0x2e: {  	s3 =	simm.s32 @!p0 $0x1082;
	s9 =	sld [smem:$0x3FB7]  }
0x2f: {  	lr =	sadd.s32 s0, s3;
	s0 =	sld [smem:$0x3FAE]  }
0x30: {  	s3 =	sld [smem:$0x3FB1]  }
0x31: {  	[smem:$0x3FBA] =	sst s10  }
0x32: {  	s10 =	sld [smem:$0x3FB8];
	_ =	sdelay $0x3  }
0x33: {  	p0 =	seq.s32 s10, $0x1;
	s10 =	sld [smem:$0x3FBA];
	_ =	sdelay $0x3  }
0x34: {  	[smem:$0x3FBA] =	sst s10  }
0x35: {  	s10 =	sld [smem:$0x3FB9];
	_ =	sdelay $0x3  }
0x36: {  	p1 =	seq.s32 s10, $0x1;
	s10 =	sld [smem:$0x3FBA];
	_ =	sdelay $0x3  }
0x37: {  	[smem:$0x3FBA] =	sst s10  }
0x38: {  	s10 =	sld [smem:$0x3FBB]  }
0x39: {  	_ = 	snop;
	(pc) =	sbr.ind lr, $3  }
0x3a: {  	_ = 	snop  }
0x3b: {  	_ = 	snop  }
0x3c: {  	p2 =	seq.s32 s10, $0x1;
	s10 =	sld [smem:$0x3FBA]  }
0x3d: {  	_ =	shalt  }
0x3e: {  	_ =	shalt  }
0x3f: {  	_ =	shalt  }
0x40: {  	_ =	shalt  }
0x41: {  	_ =	shalt  }
0x42: {  	_ =	shalt  }
0x43: {  	_ =	shalt  }
0x44: {  	_ =	shalt  }
0x45: {  	_ =	shalt  }
0x46: {  	_ =	shalt  }
0x47: {  	_ =	shalt  }
0x48: {  	_ =	shalt  }
0x49: {  	_ =	shalt  }
0x4a: {  	_ =	shalt  }
0x4b: {  	_ =	shalt  }
0x4c: {  	_ =	shalt  }
0x4d: {  	_ =	shalt  }
0x4e: {  	_ =	shalt  }
0x4f: {  	_ =	shalt  }
0x50: {  	_ =	shalt  }
0x51: {  	_ =	shalt  }
0x52: {  	_ =	shalt  }
0x53: {  	_ =	shalt  }
0x54: {  	_ =	shalt  }
0x55: {  	_ =	shalt  }
0x56: {  	_ =	shalt  }
0x57: {  	_ =	shalt  }
0x58: {  	_ =	shalt  }
0x59: {  	_ =	shalt  }
0x5a: {  	_ =	shalt  }
0x5b: {  	_ =	shalt  }
0x5c: {  	_ =	shalt  }
0x5d: {  	_ =	shalt  }
0x5e: {  	_ =	shalt  }
0x5f: {  	_ =	shalt  }
0x60: {  	_ =	shalt  }
0x61: {  	_ =	shalt  }
0x62: {  	_ =	shalt  }
0x63: {  	_ =	shalt  }
0x64: {  	_ =	shalt  }
0x65: {  	_ =	shalt  }
0x66: {  	_ =	shalt  }
0x67: {  	_ =	shalt  }
0x68: {  	_ =	shalt  }
0x69: {  	_ =	shalt  }
0x6a: {  	_ =	shalt  }
0x6b: {  	_ =	shalt  }
0x6c: {  	_ =	shalt  }
0x6d: {  	_ =	shalt  }
0x6e: {  	_ =	shalt  }
0x6f: {  	_ =	shalt  }
0x70: {  	_ =	shalt  }
0x71: {  	_ =	shalt  }
0x72: {  	_ =	shalt  }
0x73: {  	_ =	shalt  }
0x74: {  	_ =	shalt  }
0x75: {  	_ =	shalt  }
0x76: {  	_ =	shalt  }
0x77: {  	_ =	shalt  }
0x78: {  	_ =	shalt  }
0x79: {  	_ =	shalt  }
0x7a: {  	_ =	shalt  }
0x7b: {  	_ =	shalt  }
0x7c: {  	_ =	shalt  }
0x7d: {  	_ =	shalt  }
0x7e: {  	_ =	shalt  }
0x7f: {  	_ =	shalt  }
0x80: {  	_ =	shalt  }
0x81: {  	_ =	shalt  }
0x82: {  	_ =	shalt  }
0x83: {  	_ =	shalt  }
0x84: {  	_ =	shalt  }
0x85: {  	_ =	shalt  }
0x86: {  	_ =	shalt  }
0x87: {  	_ =	shalt  }
.Lfunc_end0:
.L_simem_size_0:
called_computation.1_lowered:
.L_overlay_start_0:
0x88: {  	s2 =	sld [smem:$0x3FD9]  }
0x89: {  	s3 =	sld [smem:$0x3FFE];
	_ =	sdelay $0x1  }
0x8a: {  	s1 =	srdreg.scid  }
0x8b: {  	s0 =	sand.u32 $0x1, s1  }
0x8c: {  	s17 =	sshll.u32 s0, $0xA;
	s2 =	sadd.s32 s3, s2  }
0x8d: {  	s2 =	sadd.s32 s2, s17  }
0x8e: {  	[smem:$0x3FC6] =	sst s2  }
0x8f: {  	_ = 	snop  }
0x90: {  	s2 =	sld [smem:$0x3FD0];
	(tm) =	ssettm $0x1  }
0x91: {  	s18 =	sld [smem:$0x3FFB];
	_ =	sdelay $0x3  }
0x92: {  	_ =	strace s18  }
0x93: {  	s3 =	sld [smem:$0x3FFC];
	_ =	sdelay $0x3  }
0x94: {  	_ =	strace s3  }
0x95: {  	s3 =	sld [smem:$0x3FFD];
	_ =	sdelay $0x3  }
0x96: {  	_ =	strace s3  }
0x97: {  	_ =	strace $0x8FFFFFFF  }
0x98: {  	s19 =	sld [smem:$0x3FDB];
	_ =	sdelay $0x1  }
0x99: {  	s4 =	simm.s32 $_scs_section_size  }
0x9a: {  	s5 =	simm.s32 $_size__tile_overlayer_lowered;
	s6 =	simm.s32 $_tile_overlayer_lowered  }
0x9b: {  	s22 =	simm.s32 $0x1BFF;
	s21 =	sshll.u32 s6, $0x1;
	s3 =	sadd.s32 s4, s19  }
0x9c: {  	s7 =	simm.s32 $0x0;
	s20 =	sshll.u32 s5, $0x1;
	s5 =	sadd.s32 s21, s3  }
0x9d: {  	[timem:s7], [sflag:s22] =	dma.local [hbm:s5], s20  }
0x9e: {  	_ =	swait.ge [sflag:s22], s20  }
0x9f: {  	s4 =	ssub.s32 $0x0, s20;
	[sflag:s22] =	ssyncset.done $0x0  }
0xa0: {  	[sflag:s22] =	ssyncadd.s32 s4;
	_ =	sdelay $0x1  }
0xa1: {  	s23 =	simm.s32 $0x1B8B  }
0xa2: {  	_ =	swait.ge [sflag:s23], $0x1  }
0xa3: {  	[sflag:s23] =	ssyncset.done $0x0  }
0xa4: {  	s25 =	simm.s32 $0x1B8E;
	s24 =	sld [smem:$0x3FFE];
	[sflag:s23] =	ssyncadd.s32 $0xFFFFFFFF  }
0xa5: {  	s26 =	simm.s32 $execute0_lowered;
	[smem:$0x3FD2] =	sst s25  }
0xa6: {  	s5 =	sshll.u32 s26, $0x1;
	_ =	strace $0x80000046;
	[dreg:$0x1] =	wrdreg $0xFFFFFFFF  }
0xa7: {  	s28 =	simm.s32 $_size_execute0_lowered;
	s3 =	sadd.s32 s3, s5;
	[dreg:$0x0] =	wrdreg $0x0  }
0xa8: {  	s5 =	sshll.u32 s28, $0x1;
	[dreg:$0x2] =	wrdreg s3  }
0xa9: {  	[dreg:$0x3] =	wrdreg s5  }
0xaa: {  	[dreg:$0x4] =	wrdreg $0xC0  }
0xab: {  	_ =	task [dreg:s7], $0x5FFFF  }
0xac: {  	[dreg:$0x1] =	wrdreg $0xFFFFFFFF  }
0xad: {  	[dreg:$0x0] =	wrdreg $0x60  }
0xae: {  	[dreg:$0x2] =	wrdreg s24  }
0xaf: {  	[dreg:$0x3] =	wrdreg s2  }
0xb0: {  	[dreg:$0x4] =	wrdreg $0x9  }
0xb1: {  	_ =	task.clear_ibuf [dreg:s7], $0x5FFFF;
	_ =	strace $0x90000046  }
0xb2: {  	s29 =	simm.s32 $0x9;
	_ =	strace $0x80000048  }
0xb3: {  	_ =	swait.ge [sflag:s29], $0x1  }
0xb4: {  	[sflag:s29] =	ssyncadd.s32 $0xFFFFFFFF  }
0xb5: {  	_ =	strace $0x90000048  }
0xb6: {  	_ =	sfence  }
0xb7: {  	s30 =	sld [smem:$0x0];
	_ =	sdelay $0x2  }
0xb8: {  	s31 =	sshll.u32 s1, $0xD;
	s1 =	sshrl.u32 s1, $0x2  }
0xb9: {  	s3 =	sand.u32 $0x4000, s31;
	s1 =	sadd.s32 s1, s30  }
0xba: {  	s0 =	sor.u32 s3, s0;
	s1 =	sshll.u32 s1, $0x11  }
0xbb: {  	s0 =	sor.u32 s1, s0  }
0xbc: {  	s0 =	sadd.s32 $0x8F2B, s0  }
0xbd: {  	[sflag:s0] =	ssyncadd.remote.s32 $0x1  }
0xbe: {  	_ =	sfence.sel $0xFFFF  }
0xbf: {  	[dreg:$0x0] =	wrdreg $0xFFFFFFFF;
	(pc) =	sbr.abs _section_cstart, $3  }
0xc0: {  	[dreg:$0x1] =	wrdreg $0xFFFFFFFF  }
0xc1: {  	_ =	task.clear_ibuf [dreg:s7], $0x2FFFF;
	_ =	strace $0x9FFFFFFF  }
0xc2: {  	(tm) =	ssettm $0x7FFFFFFF  }
0xc3: {  	_ =	shalt  }
tec
execute0_lowered:
.L_overlay_start_1:
0x0: {  	(tag) =	ssettag $0x1  }
0x1: {  	s0 =	rddreg [dreg:$0x0]  }
0x2: {  	s1 =	rddreg [dreg:$0x1]  }
0x3: {  	s3 =	srdreg.scid;
	s2 =	simm.s32 $0x0;
	s11 =	stileid.u32  }
0x4: {  	s12 =	simm.s32 $0xC8;
	s13 =	simm.s32 $0x640;
	s14 =	simm.s32 $0x3840  }
0x5: {  	s15 =	simm.s32 $0x190;
	s16 =	simm.s32 $0x6A40;
	s17 =	simm.s32 $0x258  }
0x6: {  	s18 =	simm.s32 $0x9C40;
	s19 =	simm.s32 $0x2;
	s28 =	simm.s32 $0x3  }
0x7: {  	s29 =	simm.s32 $0x5;
	s30 =	simm.s32 $0x4;
	s31 =	simm.s32 $0x6  }
0x8: {  	s5 =	sand.u32 $0x1, s3;
	[smem:$0x7FF] =	sst s2;
	s9 =	smul.u32 $0x6400, s11  }
0x9: {  	s20 =	sshll.u32 s11, $0xA;
	s8 =	sadd.s32 $0x800, s0;
	s11 =	smul.u32 $0x190000, s11  }
0xa: {  	s3 =	sadd.s32 $0x64800, s0;
	s4 =	sshll.u32 s5, $0x9;
	s10 =	smul.u32 $0x3200, s5  }
0xb: {  	s6 =	ssub.s32 $0x2, s5;
	s5 =	smul.u32 $0xC8000, s5;
	s4 =	sor.u32 s4, s20  }
0xc: {  	_ =	strace $0x80000047;
	s21 =	sshrl.u32 s6, $0x1;
	s7 =	smul.u32 $0x3200, s4  }
0xd: {  	s9 =	sadd.s32 s9, s8;
	s20 =	simm.s32 $0xCE40;
	s4 =	smul.u32 $0x19, s4  }
0xe: {  	s0 =	ssub.s32 s6, s21;
	s26 =	sadd.s32 s10, s9;
	s10 =	simm.s32 $0x320  }
0xf: {  	s21 =	simm.s32 $0x3E8;
	[dreg:$0x3] =	wrdreg s26;
	s26 =	simm.s32 $0x16440  }
0x10: {  	s22 =	sshrl.u32 s7, $0x3;
	s4 =	sadd.s32 s8, s4;
	s8 =	smax.u32 s0, $0x1  }
0x11: {  	s0 =	simm.s32 $0x0;
	s7 =	sadd.s32 s1, s22;
	s23 =	sadd.s32 $0x64, s4  }
0x12: {  	s1 =	sadd.s32 s11, s1;
	s11 =	simm.s32 $0x1;
	s22 =	simm.s32 $0x10040  }
0x13: {  	[dreg:$0x4] =	wrdreg s23;
	s24 =	sadd.s32 $0xC4E00, s7;
	s25 =	sadd.s32 $0xC6700, s7  }
0x14: {  	s5 =	sadd.s32 s5, s1;
	s23 =	simm.s32 $0x4B0;
	[dreg:$0x5] =	wrdreg s24  }
0x15: {  	[dreg:$0x6] =	wrdreg s25;
	s24 =	simm.s32 $0x13240;
	s25 =	simm.s32 $0x578  }
.LBB2_1:
0x16: {  	[tilespmem:s2], [sflag:$0x1] =	stream.linear.gather [hbm4b:s4+s2], $0x320, $0x38;
	[tilespmem:$0x19640] =	vst v63  }
0x17: {  	s1 =	rddreg [dreg:$0x4]  }
0x18: {  	[tilespmem:s10], [sflag:$0x2] =	stream.linear.gather [hbm4b:s1+s2], $0x320, $0x38;
	[tilespmem:$0x19640] =	vst v63  }
0x19: {  	_ =	swait.ge [sflag:s11], $0x320  }
0x1a: {  	[sflag:s11] =	ssyncset.done $0x0  }
0x1b: {  	[sflag:s11] =	ssyncadd.s32 $0xFFFFFCE0  }
0x1c: {  	[tilespmem:s13], [sflag:$0x3] =	stream.indirect.gather [hbm4b:s3+s12], $0x40, s2, s12, $0xb8;
	[tilespmem:$0x19640] =	vst v63  }
0x1d: {  	_ = 	snop  }
0x1e: {  	[tilespmem:s14], [sflag:$0x3] =	stream.indirect.gather [hbm4b:s3+s12], $0x40, s12, s12, $0xb8;
	[tilespmem:$0x19640] =	vst v63  }
0x1f: {  	_ = 	snop  }
0x20: {  	[tilespmem:s16], [sflag:$0x3] =	stream.indirect.gather [hbm4b:s3+s12], $0x40, s15, s12, $0xb8;
	[tilespmem:$0x19640] =	vst v63  }
0x21: {  	_ = 	snop  }
0x22: {  	[tilespmem:s18], [sflag:$0x3] =	stream.indirect.gather [hbm4b:s3+s12], $0x40, s17, s12, $0xb8;
	[tilespmem:$0x19640] =	vst v63  }
0x23: {  	_ =	swait.ge [sflag:s19], $0x320  }
0x24: {  	[sflag:s19] =	ssyncset.done $0x0  }
0x25: {  	[sflag:s19] =	ssyncadd.s32 $0xFFFFFCE0  }
0x26: {  	[tilespmem:s20], [sflag:$0x4] =	stream.indirect.gather [hbm4b:s3+s12], $0x40, s10, s12, $0xb8;
	[tilespmem:$0x19640] =	vst v63  }
0x27: {  	_ = 	snop  }
0x28: {  	[tilespmem:s22], [sflag:$0x4] =	stream.indirect.gather [hbm4b:s3+s12], $0x40, s21, s12, $0xb8;
	[tilespmem:$0x19640] =	vst v63  }
0x29: {  	_ = 	snop  }
0x2a: {  	[tilespmem:s24], [sflag:$0x4] =	stream.indirect.gather [hbm4b:s3+s12], $0x40, s23, s12, $0xb8;
	[tilespmem:$0x19640] =	vst v63  }
0x2b: {  	_ = 	snop  }
0x2c: {  	[tilespmem:s26], [sflag:$0x4] =	stream.indirect.gather [hbm4b:s3+s12], $0x40, s25, s12, $0xb8;
	[tilespmem:$0x19640] =	vst v63  }
0x2d: {  	_ =	swait.ge [sflag:s28], $0x3200  }
0x2e: {  	[sflag:s28] =	ssyncset.done $0x0  }
0x2f: {  	[sflag:s28] =	ssyncadd.s32 $0xFFFFCE00  }
0x30: {  	_ =	swait.ge [sflag:s28], $0x3200  }
0x31: {  	[sflag:s28] =	ssyncset.done $0x0  }
0x32: {  	[sflag:s28] =	ssyncadd.s32 $0xFFFFCE00  }
0x33: {  	_ =	swait.ge [sflag:s28], $0x3200  }
0x34: {  	[sflag:s28] =	ssyncset.done $0x0  }
0x35: {  	[sflag:s28] =	ssyncadd.s32 $0xFFFFCE00  }
0x36: {  	_ =	swait.ge [sflag:s28], $0x3200  }
0x37: {  	[sflag:s28] =	ssyncset.done $0x0;
	s6 =	rddreg [dreg:$0x3]  }
0x38: {  	[sflag:s28] =	ssyncadd.s32 $0xFFFFCE00;
	s1 =	sadd.s32 $0x0, s6  }
0x39: {  	[hbm4b:s5+s2] =	stream.linear.scatter [tilespmem:s13], [sflag:$0x5], $0xC800, $0x38;
	[tilespmem:$0x19640] =	vst v63  }
0x3a: {  	s9 =	sadd.s32 $0xC8, s1  }
0x3b: {  	[tilespmem:s2], [sflag:$0x1] =	stream.linear.gather [hbm4b:s9+s2], $0x320, $0x38;
	[tilespmem:$0x19640] =	vst v63  }
0x3c: {  	_ =	swait.ge [sflag:s29], $0xC800  }
0x3d: {  	[sflag:s29] =	ssyncset.done $0x0  }
0x3e: {  	[sflag:s29] =	ssyncadd.s32 $0xFFFF3800  }
0x3f: {  	_ =	swait.ge [sflag:s11], $0x320  }
0x40: {  	[sflag:s11] =	ssyncset.done $0x0  }
0x41: {  	[sflag:s11] =	ssyncadd.s32 $0xFFFFFCE0  }
0x42: {  	[tilespmem:s13], [sflag:$0x3] =	stream.indirect.gather [hbm4b:s3+s12], $0x40, s2, s12, $0xb8;
	[tilespmem:$0x19640] =	vst v63  }
0x43: {  	_ = 	snop  }
0x44: {  	[tilespmem:s14], [sflag:$0x3] =	stream.indirect.gather [hbm4b:s3+s12], $0x40, s12, s12, $0xb8;
	[tilespmem:$0x19640] =	vst v63  }
0x45: {  	_ = 	snop  }
0x46: {  	[tilespmem:s16], [sflag:$0x3] =	stream.indirect.gather [hbm4b:s3+s12], $0x40, s15, s12, $0xb8;
	[tilespmem:$0x19640] =	vst v63  }
0x47: {  	_ = 	snop  }
0x48: {  	[tilespmem:s18], [sflag:$0x3] =	stream.indirect.gather [hbm4b:s3+s12], $0x40, s17, s12, $0xb8;
	[tilespmem:$0x19640] =	vst v63  }
0x49: {  	_ =	swait.ge [sflag:s30], $0x3200  }
0x4a: {  	[sflag:s30] =	ssyncset.done $0x0  }
0x4b: {  	[sflag:s30] =	ssyncadd.s32 $0xFFFFCE00  }
0x4c: {  	_ =	swait.ge [sflag:s30], $0x3200  }
0x4d: {  	[sflag:s30] =	ssyncset.done $0x0  }
0x4e: {  	[sflag:s30] =	ssyncadd.s32 $0xFFFFCE00  }
0x4f: {  	_ =	swait.ge [sflag:s30], $0x3200  }
0x50: {  	[sflag:s30] =	ssyncset.done $0x0  }
0x51: {  	[sflag:s30] =	ssyncadd.s32 $0xFFFFCE00  }
0x52: {  	_ =	swait.ge [sflag:s30], $0x3200  }
0x53: {  	[sflag:s30] =	ssyncset.done $0x0  }
0x54: {  	s7 =	sadd.s32 $0x1900, s5;
	[sflag:s30] =	ssyncadd.s32 $0xFFFFCE00  }
0x55: {  	[hbm4b:s7+s2] =	stream.linear.scatter [tilespmem:s20], [sflag:$0x6], $0xC800, $0x38;
	[tilespmem:$0x19640] =	vst v63  }
0x56: {  	s1 =	sadd.s32 $0x12C, s1  }
0x57: {  	[tilespmem:s10], [sflag:$0x2] =	stream.linear.gather [hbm4b:s1+s2], $0x320, $0x38;
	[tilespmem:$0x19640] =	vst v63  }
0x58: {  	_ =	swait.ge [sflag:s31], $0xC800  }
0x59: {  	[sflag:s31] =	ssyncset.done $0x0  }
0x5a: {  	[sflag:s31] =	ssyncadd.s32 $0xFFFF3800  }
0x5b: {  	_ =	swait.ge [sflag:s19], $0x320  }
0x5c: {  	[sflag:s19] =	ssyncset.done $0x0  }
0x5d: {  	[sflag:s19] =	ssyncadd.s32 $0xFFFFFCE0  }
0x5e: {  	[tilespmem:s20], [sflag:$0x4] =	stream.indirect.gather [hbm4b:s3+s12], $0x40, s10, s12, $0xb8;
	[tilespmem:$0x19640] =	vst v63  }
0x5f: {  	_ = 	snop  }
0x60: {  	[tilespmem:s22], [sflag:$0x4] =	stream.indirect.gather [hbm4b:s3+s12], $0x40, s21, s12, $0xb8;
	[tilespmem:$0x19640] =	vst v63  }
0x61: {  	s9 =	smov.u32 s5;
	s1 =	simm.s32 $0xC8  }
0x62: {  	[tilespmem:s24], [sflag:$0x4] =	stream.indirect.gather [hbm4b:s3+s12], $0x40, s23, s12, $0xb8;
	[tilespmem:$0x19640] =	vst v63  }
.LBB2_2:
0x63: {  	[tilespmem:s26], [sflag:$0x4] =	stream.indirect.gather [hbm4b:s3+s12], $0x40, s25, s12, $0xb8;
	[tilespmem:$0x19640] =	vst v63  }
0x64: {  	_ =	swait.ge [sflag:s28], $0x3200  }
0x65: {  	[sflag:s28] =	ssyncset.done $0x0  }
0x66: {  	[sflag:s28] =	ssyncadd.s32 $0xFFFFCE00  }
0x67: {  	_ =	swait.ge [sflag:s28], $0x3200  }
0x68: {  	[sflag:s28] =	ssyncset.done $0x0  }
0x69: {  	[sflag:s28] =	ssyncadd.s32 $0xFFFFCE00  }
0x6a: {  	_ =	swait.ge [sflag:s28], $0x3200  }
0x6b: {  	[sflag:s28] =	ssyncset.done $0x0  }
0x6c: {  	[sflag:s28] =	ssyncadd.s32 $0xFFFFCE00  }
0x6d: {  	_ =	swait.ge [sflag:s28], $0x3200  }
0x6e: {  	s6 =	smov.u32 s1;
	[sflag:s28] =	ssyncset.done $0x0;
	s7 =	rddreg [dreg:$0x3]  }
0x6f: {  	s9 =	sadd.s32 $0x3200, s9;
	[sflag:s28] =	ssyncadd.s32 $0xFFFFCE00;
	s6 =	sadd.s32 s6, s7  }
0x70: {  	[hbm4b:s9+s2] =	stream.linear.scatter [tilespmem:s13], [sflag:$0x5], $0xC800, $0x38;
	[tilespmem:$0x19640] =	vst v63  }
0x71: {  	s7 =	sadd.s32 $0xC8, s6  }
0x72: {  	[tilespmem:s2], [sflag:$0x1] =	stream.linear.gather [hbm4b:s7+s2], $0x320, $0x38;
	[tilespmem:$0x19640] =	vst v63  }
0x73: {  	_ =	swait.ge [sflag:s29], $0xC800  }
0x74: {  	[sflag:s29] =	ssyncset.done $0x0  }
0x75: {  	[sflag:s29] =	ssyncadd.s32 $0xFFFF3800  }
0x76: {  	_ =	swait.ge [sflag:s11], $0x320  }
0x77: {  	[sflag:s11] =	ssyncset.done $0x0  }
0x78: {  	[sflag:s11] =	ssyncadd.s32 $0xFFFFFCE0  }
0x79: {  	[tilespmem:s13], [sflag:$0x3] =	stream.indirect.gather [hbm4b:s3+s12], $0x40, s2, s12, $0xb8;
	[tilespmem:$0x19640] =	vst v63  }
0x7a: {  	_ = 	snop  }
0x7b: {  	[tilespmem:s14], [sflag:$0x3] =	stream.indirect.gather [hbm4b:s3+s12], $0x40, s12, s12, $0xb8;
	[tilespmem:$0x19640] =	vst v63  }
0x7c: {  	_ = 	snop  }
0x7d: {  	[tilespmem:s16], [sflag:$0x3] =	stream.indirect.gather [hbm4b:s3+s12], $0x40, s15, s12, $0xb8;
	[tilespmem:$0x19640] =	vst v63  }
0x7e: {  	_ = 	snop  }
0x7f: {  	[tilespmem:s18], [sflag:$0x3] =	stream.indirect.gather [hbm4b:s3+s12], $0x40, s17, s12, $0xb8;
	[tilespmem:$0x19640] =	vst v63  }
0x80: {  	_ =	swait.ge [sflag:s30], $0x3200  }
0x81: {  	[sflag:s30] =	ssyncset.done $0x0  }
0x82: {  	[sflag:s30] =	ssyncadd.s32 $0xFFFFCE00  }
0x83: {  	_ =	swait.ge [sflag:s30], $0x3200  }
0x84: {  	[sflag:s30] =	ssyncset.done $0x0  }
0x85: {  	[sflag:s30] =	ssyncadd.s32 $0xFFFFCE00  }
0x86: {  	_ =	swait.ge [sflag:s30], $0x3200  }
0x87: {  	[sflag:s30] =	ssyncset.done $0x0  }
0x88: {  	[sflag:s30] =	ssyncadd.s32 $0xFFFFCE00  }
0x89: {  	_ =	swait.ge [sflag:s30], $0x3200  }
0x8a: {  	[sflag:s30] =	ssyncset.done $0x0  }
0x8b: {  	s7 =	sadd.s32 $0x1900, s9;
	[sflag:s30] =	ssyncadd.s32 $0xFFFFCE00  }
0x8c: {  	[hbm4b:s7+s2] =	stream.linear.scatter [tilespmem:s20], [sflag:$0x6], $0xC800, $0x38;
	[tilespmem:$0x19640] =	vst v63  }
0x8d: {  	s6 =	sadd.s32 $0x12C, s6  }
0x8e: {  	[tilespmem:s10], [sflag:$0x2] =	stream.linear.gather [hbm4b:s6+s2], $0x320, $0x38;
	[tilespmem:$0x19640] =	vst v63  }
0x8f: {  	_ =	swait.ge [sflag:s31], $0xC800  }
0x90: {  	[sflag:s31] =	ssyncset.done $0x0  }
0x91: {  	[sflag:s31] =	ssyncadd.s32 $0xFFFF3800  }
0x92: {  	_ =	swait.ge [sflag:s19], $0x320  }
0x93: {  	[sflag:s19] =	ssyncset.done $0x0  }
0x94: {  	p0 =	sne.s32 s1, $0x3070;
	[sflag:s19] =	ssyncadd.s32 $0xFFFFFCE0  }
0x95: {  	[tilespmem:s20], [sflag:$0x4] =	stream.indirect.gather [hbm4b:s3+s12], $0x40, s10, s12, $0xb8;
	[tilespmem:$0x19640] =	vst v63  }
.Ltmp0:
0x96: {  	_ = 	snop;
	(pc) =	sbr.rel @p0 .LBB2_2-.Ltmp0, $4  }
0x97: {  	_ = 	snop  }
0x98: {  	[tilespmem:s22], [sflag:$0x4] =	stream.indirect.gather [hbm4b:s3+s12], $0x40, s21, s12, $0xb8;
	[tilespmem:$0x19640] =	vst v63  }
0x99: {  	s1 =	sadd.s32 $0xC8, s1  }
0x9a: {  	[tilespmem:s24], [sflag:$0x4] =	stream.indirect.gather [hbm4b:s3+s12], $0x40, s23, s12, $0xb8;
	[tilespmem:$0x19640] =	vst v63  }
0x9b: {  	[tilespmem:s26], [sflag:$0x4] =	stream.indirect.gather [hbm4b:s3+s12], $0x40, s25, s12, $0xb8;
	[tilespmem:$0x19640] =	vst v63  }
0x9c: {  	_ =	swait.ge [sflag:s28], $0x3200  }
0x9d: {  	[sflag:s28] =	ssyncset.done $0x0  }
0x9e: {  	[sflag:s28] =	ssyncadd.s32 $0xFFFFCE00  }
0x9f: {  	_ =	swait.ge [sflag:s28], $0x3200  }
0xa0: {  	[sflag:s28] =	ssyncset.done $0x0  }
0xa1: {  	[sflag:s28] =	ssyncadd.s32 $0xFFFFCE00  }
0xa2: {  	_ =	swait.ge [sflag:s28], $0x3200  }
0xa3: {  	[sflag:s28] =	ssyncset.done $0x0  }
0xa4: {  	[sflag:s28] =	ssyncadd.s32 $0xFFFFCE00  }
0xa5: {  	_ =	swait.ge [sflag:s28], $0x3200  }
0xa6: {  	[sflag:s28] =	ssyncset.done $0x0  }
0xa7: {  	s1 =	rddreg [dreg:$0x5];
	[sflag:s28] =	ssyncadd.s32 $0xFFFFCE00  }
0xa8: {  	[hbm4b:s1+s2] =	stream.linear.scatter [tilespmem:s13], [sflag:$0x5], $0xC800, $0x38;
	[tilespmem:$0x19640] =	vst v63  }
0xa9: {  	_ =	swait.ge [sflag:s30], $0x3200  }
0xaa: {  	[sflag:s30] =	ssyncset.done $0x0  }
0xab: {  	[sflag:s30] =	ssyncadd.s32 $0xFFFFCE00  }
0xac: {  	_ =	swait.ge [sflag:s30], $0x3200  }
0xad: {  	[sflag:s30] =	ssyncset.done $0x0  }
0xae: {  	[sflag:s30] =	ssyncadd.s32 $0xFFFFCE00  }
0xaf: {  	_ =	swait.ge [sflag:s30], $0x3200  }
0xb0: {  	[sflag:s30] =	ssyncset.done $0x0  }
0xb1: {  	[sflag:s30] =	ssyncadd.s32 $0xFFFFCE00  }
0xb2: {  	_ =	swait.ge [sflag:s30], $0x3200  }
0xb3: {  	[sflag:s30] =	ssyncset.done $0x0  }
0xb4: {  	s0 =	sadd.s32 $0x1, s0;
	s9 =	rddreg [dreg:$0x6];
	[sflag:s30] =	ssyncadd.s32 $0xFFFFCE00  }
0xb5: {  	[hbm4b:s9+s2] =	stream.linear.scatter [tilespmem:s20], [sflag:$0x6], $0xC800, $0x38;
	[tilespmem:$0x19640] =	vst v63  }
0xb6: {  	p0 =	sne.s32 s0, s8;
	_ =	swait.ge [sflag:s29], $0xC800  }
.Ltmp1:
0xb7: {  	[sflag:s29] =	ssyncset.done $0x0;
	(pc) =	sbr.rel @p0 .LBB2_1-.Ltmp1, $4  }
0xb8: {  	[sflag:s29] =	ssyncadd.s32 $0xFFFF3800  }
0xb9: {  	_ =	swait.ge [sflag:s31], $0xC800  }
0xba: {  	[sflag:s31] =	ssyncset.done $0x0  }
0xbb: {  	[sflag:s31] =	ssyncadd.s32 $0xFFFF3800  }
0xbc: {  	_ =	sfence.sel $0x180000  }
0xbd: {  	[bflag:$0x0] =	sbarrier.arrive $0xFFFF  }
0xbe: {  	_ =	strace $0x90000047  }
0xbf: {  	s0 =	stileid.u32;
	[bflag:$0x2] =	sbarrier.arrive $0xFFFF  }
0xc0: {  	p0 =	sne.s32 s0, $0x0;
	s0 =	rddreg [dreg:$0x2]  }
0xc1: {  	s0 =	sadd.s32 @!p0 $0x100000, s0  }
0xc2: {  	[sflag:s0] =	ssyncadd.tile.s32 @!p0 $0x1;
	_ =	shalt  }
.Lfunc_end2:
_tile_overlayer_lowered:
.L_overlay_start_2:
0xc3: {  	(tag) =	ssettag $0x2  }
0xc4: {  	s0 =	rddreg [dreg:$0x0];
	s2 =	stileid.u32  }
0xc5: {  	s1 =	rddreg [dreg:$0x1];
	p0 =	sne.s32 s2, $0x0  }
0xc6: {  	s3 =	rddreg [dreg:$0x2];
	[bflag:$0x3] =	sbarrier.arrive $0xFFFF;
	s2 =	simm.s32 @!p0 $0x1C07  }
0xc7: {  	[timem:s3], [sflag:s2] =	dma.local @!p0 [hbm:s0], s1  }
0xc8: {  	s0 =	simm.s32 @!p0 $0x7  }
0xc9: {  	_ =	swait.ge @!p0 [sflag:s0], s1  }
0xca: {  	s1 =	ssub.s32 @!p0 $0x0, s1;
	[sflag:s0] =	ssyncset.done @!p0 $0x0  }
0xcb: {  	[sflag:s0] =	ssyncadd.s32 @!p0 s1  }
0xcc: {  	[bflag:$0x3] =	sbarrier.arrive $0xFFFF  }
0xcd: {  	_ =	shalt  }

// kernel: sparse-core-data-format-call.cloned.1.call-start
scs
called_computation_lowered:
.L_overlay_start_0:
0x0: {  	s2 =	sld [smem:$0x3FD9]  }
0x1: {  	s3 =	sld [smem:$0x3FFE];
	_ =	sdelay $0x1  }
0x2: {  	s1 =	srdreg.scid  }
0x3: {  	s0 =	sand.u32 $0x1, s1  }
0x4: {  	s18 =	sshll.u32 s0, $0xA;
	s2 =	sadd.s32 s3, s2  }
0x5: {  	s2 =	sadd.s32 s2, s18  }
0x6: {  	[smem:$0x3FC6] =	sst s2  }
0x7: {  	_ = 	snop  }
0x8: {  	s2 =	sld [smem:$0x3FD0];
	(tm) =	ssettm $0x1  }
0x9: {  	s19 =	sld [smem:$0x3FFB];
	_ =	sdelay $0x3  }
0xa: {  	_ =	strace s19  }
0xb: {  	s3 =	sld [smem:$0x3FFC];
	_ =	sdelay $0x3  }
0xc: {  	_ =	strace s3  }
0xd: {  	s3 =	sld [smem:$0x3FFD];
	_ =	sdelay $0x3  }
0xe: {  	_ =	strace s3  }
0xf: {  	_ =	strace $0x8FFFFFFF  }
0x10: {  	s20 =	sld [smem:$0x3FDB];
	_ =	sdelay $0x1  }
0x11: {  	s4 =	simm.s32 $_scs_section_size  }
0x12: {  	s5 =	simm.s32 $_size__tile_overlayer_lowered;
	s6 =	simm.s32 $_tile_overlayer_lowered  }
0x13: {  	s23 =	simm.s32 $0x1BFF;
	s22 =	sshll.u32 s6, $0x1;
	s3 =	sadd.s32 s4, s20  }
0x14: {  	s7 =	simm.s32 $0x0;
	s21 =	sshll.u32 s5, $0x1;
	s5 =	sadd.s32 s22, s3  }
0x15: {  	[timem:s7], [sflag:s23] =	dma.local [hbm:s5], s21  }
0x16: {  	_ =	swait.ge [sflag:s23], s21  }
0x17: {  	s4 =	ssub.s32 $0x0, s21;
	[sflag:s23] =	ssyncset.done $0x0  }
0x18: {  	[sflag:s23] =	ssyncadd.s32 s4;
	_ =	sdelay $0x1  }
0x19: {  	s24 =	simm.s32 $0x1B8B  }
0x1a: {  	_ =	swait.ge [sflag:s24], $0x1  }
0x1b: {  	[sflag:s24] =	ssyncset.done $0x0  }
0x1c: {  	s26 =	simm.s32 $0x1B8E;
	s25 =	sld [smem:$0x3FFE];
	[sflag:s24] =	ssyncadd.s32 $0xFFFFFFFF  }
0x1d: {  	s27 =	simm.s32 $execute0_lowered;
	[smem:$0x3FD2] =	sst s26  }
0x1e: {  	s5 =	sshll.u32 s27, $0x1;
	_ =	strace $0x80000049;
	[dreg:$0x1] =	wrdreg $0xFFFFFFFF  }
0x1f: {  	s28 =	simm.s32 $_size_execute0_lowered;
	s3 =	sadd.s32 s3, s5;
	[dreg:$0x0] =	wrdreg $0x0  }
0x20: {  	s5 =	sshll.u32 s28, $0x1;
	[dreg:$0x2] =	wrdreg s3  }
0x21: {  	[dreg:$0x3] =	wrdreg s5  }
0x22: {  	[dreg:$0x4] =	wrdreg $0xC0  }
0x23: {  	_ =	task [dreg:s7], $0x5FFFF  }
0x24: {  	[dreg:$0x1] =	wrdreg $0xFFFFFFFF  }
0x25: {  	[dreg:$0x0] =	wrdreg $0x60  }
0x26: {  	[dreg:$0x2] =	wrdreg s25  }
0x27: {  	[dreg:$0x3] =	wrdreg s2  }
0x28: {  	[dreg:$0x4] =	wrdreg $0x9  }
0x29: {  	_ =	task.clear_ibuf [dreg:s7], $0x5FFFF;
	_ =	strace $0x90000049  }
0x2a: {  	s29 =	simm.s32 $0x9;
	_ =	strace $0x8000004B  }
0x2b: {  	_ =	swait.ge [sflag:s29], $0x1  }
0x2c: {  	[sflag:s29] =	ssyncadd.s32 $0xFFFFFFFF  }
0x2d: {  	_ =	strace $0x9000004B  }
0x2e: {  	_ =	sfence  }
0x2f: {  	s30 =	sld [smem:$0x0];
	_ =	sdelay $0x2  }
0x30: {  	s31 =	sshll.u32 s1, $0xD;
	s1 =	sshrl.u32 s1, $0x2  }
0x31: {  	s3 =	sand.u32 $0x4000, s31;
	s1 =	sadd.s32 s1, s30  }
0x32: {  	s0 =	sor.u32 s3, s0;
	s1 =	sshll.u32 s1, $0x11  }
0x33: {  	s0 =	sor.u32 s1, s0  }
0x34: {  	s0 =	sadd.s32 $0x8F2B, s0  }
0x35: {  	[sflag:s0] =	ssyncadd.remote.s32 $0x1  }
0x36: {  	_ =	sfence.sel $0xFFFF  }
0x37: {  	[dreg:$0x0] =	wrdreg $0xFFFFFFFF;
	(pc) =	sbr.abs _section_cstart, $3  }
0x38: {  	[dreg:$0x1] =	wrdreg $0xFFFFFFFF  }
0x39: {  	_ =	task.clear_ibuf [dreg:s7], $0x2FFFF;
	_ =	strace $0x9FFFFFFF  }
0x3a: {  	(tm) =	ssettm $0x7FFFFFFF  }
0x3b: {  	_ =	shalt  }
tec
execute0_lowered:
.L_overlay_start_1:
0x0: {  	(tag) =	ssettag $0x1  }
0x1: {  	s0 =	srdreg.scid  }
0x2: {  	s1 =	sshll.u32 s0, $0x4  }
0x3: {  	s0 =	stileid.u32;
	s1 =	sand.u32 $0x10, s1  }
0x4: {  	s1 =	sor.u32 s0, s1  }
0x5: {  	s6 =	rddreg [dreg:$0x0];
	s4 =	simm.s32 $0x1;
	s2 =	sshll.u32 s1, $0x7  }
0x6: {  	s7 =	simm.s32 $0x2;
	s12 =	simm.s32 $0x0;
	s1 =	ssub.s32 $0x4000, s2  }
0x7: {  	s8 =	simm.s32 $0x20000;
	s13 =	simm.s32 $0x0;
	s3 =	sand.u32 $0xF80, s1  }
0x8: {  	s9 =	simm.s32 $0x0;
	s5 =	sshrl.u32 s1, $0xC;
	p0 =	sne.s32 s3, $0x0  }
.Ltmp0:
0x9: {  	s1 =	rddreg [dreg:$0x2];
	s4 =	simm.s32 @!p0 $0x0;
	(pc) =	sbr.rel .LBB1_1-.Ltmp0, $4  }
0xa: {  	s11 =	simm.s32 $0x0;
	s3 =	rddreg [dreg:$0x1];
	s5 =	sadd.s32 s4, s5  }
0xb: {  	_ =	strace $0x8000004A;
	s4 =	simm.s32 $0x1;
	s5 =	smul.u32 $0xC8, s5  }
0xc: {  	s6 =	sadd.s32 $0x800, s6;
	s10 =	smov.u32 s2;
	[sflag:s4] =	ssyncpa.u1 $0x0  }
0xd: {  	p0 =	por $0x0, $0x0;
	[sflag:s7] =	ssyncpa.u1 $0x0;
	s7 =	sor.u32 $0x1, s5  }
.LBB1_4:
0xe: {  	s16 =	sshll.u32 s13, $0x3;
	s17 =	sand.u32 $0x78, s13  }
0xf: {  	s30 =	sand.u32 $0x1F800, s13;
	s12 =	sshll.u32 s12, $0x11;
	s16 =	sand.u32 $0x3C00, s16  }
0x10: {  	[tilespmem:s15+$0x810 ss:$0x81] =	vst.msk $0xffff, v2;
	s31 =	sand.u32 $0x7, s13;
	s16 =	sor.u32 s17, s16;
	s17 =	sadd.s32 s3, s30  }
0x11: {  	[tilespmem:s15+$0x1020 ss:$0x81] =	vst.msk $0xffff, v0;
	s13 =	sshll.u32 s31, $0x12;
	s12 =	sadd.s32 s12, s17;
	s16 =	sshrl.u32 s16, $0x3  }
0x12: {  	[tilespmem:s15+$0x0 ss:$0x81] =	vst.msk $0xffff, v1;
	s13 =	sor.u32 $0x400, s13;
	s12 =	sadd.s32 s16, s12  }
0x13: {  	[hbm4b:s12+s13] =	stream.strided.scatter [tilespmem:s14], [sflag:$0x2], $0x2000, s8, s13, $0x20;
	[tilespmem:$0x8080] =	vst v63  }
.LBB1_5:
0x14: {  	s14 =	sadd.s32 $0x1, s9  }
0x15: {  	s12 =	sadd.s32 $0x1000, s10;
	s16 =	smov.u32 s10;
	p2 =	sgt.s32 s14, $0xC7  }
0x16: {  	s16 =	smov.u32 @p2 s12  }
0x17: {  	s14 =	simm.s32 @p2 $0x0;
	p2 =	sgt.s32 s16, $0x3FFF  }
0x18: {  	s16 =	smov.u32 @p2 s2;
	p2 =	sne.s32 s11, s7  }
.Ltmp1:
0x19: {  	p1 =	slt.u32 s11, $0x2;
	(pc) =	sbr.rel @!p2 .LBB1_6-.Ltmp1, $4  }
0x1a: {  	s15 =	simm.s32 @!p1 $0x2  }
0x1b: {  	s13 =	smov.u32 s10;
	p0 =	por !p0, !p0;
	_ =	swait.ge @!p1 [sflag:s15], $0x2000  }
0x1c: {  	s12 =	smov.u32 s9;
	[sflag:s15] =	ssyncset.done @!p1 $0x0;
	s9 =	smov.u32 s14  }
0x1d: {  	s11 =	sadd.s32 $0x1, s11;
	[sflag:s15] =	ssyncadd.s32 @!p1 $0xFFFFE000;
	s10 =	smov.u32 s16  }
.LBB1_1:
0x1e: {  	p1 =	sge.u32 s11, s5  }
0x1f: {  	s14 =	sand.u32 @!p1 $0x1FFFFFF, s9  }
0x20: {  	s15 =	smulhi.u32 @!p1 $0x147AE15, s14;
	_ =	sdelay $0x1  }
0x21: {  	s15 =	smul.u32 @!p1 $0xC8, s15  }
0x22: {  	s16 =	sxor.u32 @!p1 $0xFFFFFFFF, s11;
	s17 =	smul.u32 @!p1 $0xC80, s10  }
0x23: {  	s31 =	sadd.s32 $0xFFFFFFFF, s11;
	s16 =	sshll.u32 @!p1 s16, $0xD;
	s14 =	ssub.s32 @!p1 s14, s15  }
0x24: {  	s15 =	sand.u32 @!p1 $0x2000, s16;
	s16 =	sadd.s32 @!p1 s6, s17;
	s14 =	sshll.u32 @!p1 s14, $0x4  }
0x25: {  	s17 =	simm.s32 @!p1 $0x6400;
	s14 =	sadd.s32 @!p1 s14, s16;
	s16 =	simm.s32 @!p1 $0x40  }
0x26: {  	[tilespmem:s15], [sflag:$0x1] =	stream.strided.gather @!p1 [hbm4b:s14+s16], $0x2000, s17, s16, $0x38;
	[tilespmem:$0x8080] =	vst v63  }
0x27: {  	p1 =	sge.u32 s31, s5  }
.Ltmp2:
0x28: {  	_ = 	snop;
	(pc) =	sbr.rel @p1 .LBB1_5-.Ltmp2, $1  }
0x29: {  	_ =	sdelay $0x3  }
0x2a: {  	s14 =	simm.s32 $0x1  }
0x2b: {  	_ =	swait.ge [sflag:s4], $0x2000;
	s14 =	simm.s32 @!p0 $0x0  }
0x2c: {  	[sflag:s4] =	ssyncset.done $0x0;
	s15 =	sshll.u32 s14, $0xD  }
0x2d: {  	[sflag:s4] =	ssyncadd.s32 $0xFFFFE000;
	s18 =	sor.u32 $0x20, s15  }
0x2e: {  	s14 =	smul.u32 $0x8100, s14;
	v3 =	vld [tilespmem:s18+$0x10]  }
0x2f: {  	s30 =	sand.u32 $0x1, s11;
	v2 =	vld [tilespmem:s18+$0xFFFFFFF0]  }
0x30: {  	s15 =	smul.u32 $0x8100, s30;
	s14 =	sshrl.u32 s14, $0x2;
	v0 =	vld [tilespmem:s18+$0x0]  }
0x31: {  	v1 =	vld [tilespmem:s18+$0xFFFFFFE0];
	s16 =	sor.u32 $0x4000, s14  }
0x32: {  	s31 =	sshrl.u32 s15, $0x2;
	s15 =	sadd.s32 $0x0, s16  }
0x33: {  	s17 =	simm.s32 $0x4;
	s18 =	sadd.s32 $0x40, s18;
	s14 =	sor.u32 $0x4000, s31;
	[tilespmem:s15+$0x1830 ss:$0x81] =	vst.msk $0xffff, v3  }
.LBB1_3:
0x34: {  	v3 =	vld [tilespmem:s18+$0x10];
	p1 =	sne.s32 s17, $0x1FC;
	[tilespmem:s15+$0x810 ss:$0x81] =	vst.msk $0xffff, v2;
	s19 =	smov.u32 s17;
	s17 =	sadd.s32 $0x4, s17  }
.Ltmp3:
0x35: {  	v2 =	vld [tilespmem:s18+$0xFFFFFFF0];
	[tilespmem:s15+$0x1020 ss:$0x81] =	vst.msk $0xffff, v0;
	(pc) =	sbr.rel @p1 .LBB1_3-.Ltmp3, $4  }
0x36: {  	v0 =	vld [tilespmem:s18+$0x0];
	[tilespmem:s15+$0x0 ss:$0x81] =	vst.msk $0xffff, v1  }
0x37: {  	s15 =	sshra.s32 s19, $0x2;
	v1 =	vld [tilespmem:s18+$0xFFFFFFE0]  }
0x38: {  	s15 =	sadd.s32 s15, s16  }
0x39: {  	s18 =	sadd.s32 $0x40, s18;
	[tilespmem:s15+$0x1830 ss:$0x81] =	vst.msk $0xffff, v3  }
.Ltmp4:
0x3a: {  	_ = 	snop;
	(pc) =	sbr.rel .LBB1_4-.Ltmp4, $1  }
0x3b: {  	_ =	sdelay $0x3  }
.LBB1_6:
0x3c: {  	_ =	sfence.sel $0x180000  }
0x3d: {  	s2 =	simm.s32 $0x1;
	[bflag:$0x0] =	sbarrier.arrive $0xFFFF  }
0x3e: {  	s31 =	simm.s32 $0x2;
	[sflag:s2] =	ssyncpa.u1 $0x1  }
0x3f: {  	[sflag:s31] =	ssyncpa.u1 $0x1  }
0x40: {  	p0 =	sne.s32 s0, $0x0;
	_ =	strace $0x9000004A  }
0x41: {  	s0 =	sadd.s32 @!p0 $0x100000, s1;
	[bflag:$0x2] =	sbarrier.arrive $0xFFFF  }
0x42: {  	[sflag:s0] =	ssyncadd.tile.s32 @!p0 $0x1;
	_ =	shalt  }
.Lfunc_end1:
_tile_overlayer_lowered:
.L_overlay_start_2:
0x43: {  	(tag) =	ssettag $0x2  }
0x44: {  	s0 =	rddreg [dreg:$0x0];
	s2 =	stileid.u32  }
0x45: {  	s1 =	rddreg [dreg:$0x1];
	p0 =	sne.s32 s2, $0x0  }
0x46: {  	s3 =	rddreg [dreg:$0x2];
	[bflag:$0x3] =	sbarrier.arrive $0xFFFF;
	s2 =	simm.s32 @!p0 $0x1C01  }
0x47: {  	[timem:s3], [sflag:s2] =	dma.local @!p0 [hbm:s0], s1  }
0x48: {  	s0 =	simm.s32 @!p0 $0x1  }
0x49: {  	_ =	swait.ge @!p0 [sflag:s0], s1  }
0x4a: {  	s1 =	ssub.s32 @!p0 $0x0, s1;
	[sflag:s0] =	ssyncset.done @!p0 $0x0  }
0x4b: {  	[sflag:s0] =	ssyncadd.s32 @!p0 s1  }
0x4c: {  	[bflag:$0x3] =	sbarrier.arrive $0xFFFF  }
0x4d: {  	_ =	shalt  }

</sc_bundles>
